<compile_context>
chip_gen: v7x
topology: tpu7x:2x2x1
jax: 0.10.2.dev20260603
libtpu: 0.0.44.dev20260713+nightly
codegen_flags: <defaults>
</compile_context>

<pallas_src>
import functools

import jax
import jax.numpy as jnp
from jax import lax
from jax.experimental import pallas as pl
from jax.experimental.pallas import tpu as pltpu
from jax.experimental.pallas import tpu_sc as plsc


L = 16


@functools.lru_cache(maxsize=None)
def _build_sc_rowgather(nrows, width, m, nc, ns):
    nw = nc * ns
    rg = 8
    csplit = 16
    ntasks = (m // rg) * csplit
    tpw = -(-ntasks // nw)
    qw = width // csplit
    mpad = ((m + L - 1) // L) * L

    mesh = plsc.VectorSubcoreMesh(core_axis_name="c", subcore_axis_name="s")

    nbuf = tpw
    dahead = tpw

    @functools.partial(
        pl.kernel,
        out_type=jax.ShapeDtypeStruct((m, width), jnp.float32),
        mesh=mesh,
        scratch_types=(
            [pltpu.VMEM((mpad,), jnp.int32)]
            + [pltpu.VMEM((rg, qw), jnp.float32)] * nbuf
            + [pltpu.SemaphoreType.DMA] * (2 * nbuf)
        ),
        compiler_params=pltpu.CompilerParams(
            needs_layout_passes=False,
            skip_device_barrier=True,
            disable_bounds_checks=True,
            disable_semaphore_checks=True,
        ),
    )
    def sc_rowgather(xt, maskf, out_t, maskv, *bufs_sems):
        vbufs = bufs_sems[:nbuf]
        sins = bufs_sems[nbuf:2 * nbuf]
        souts = bufs_sems[2 * nbuf:]
        wid = lax.axis_index("s") * nc + lax.axis_index("c")
        pltpu.sync_copy(maskf, maskv.at[pl.ds(0, m)])

        def active(t):
            return t * nw + wid < ntasks

        def jq(t):
            k = t * nw + wid
            return (k // csplit) * rg, k % csplit

        def start_in(t):
            jbase, q = jq(t)
            col = pl.multiple_of(q * qw, qw)
            b = t % nbuf

            @pl.when(active(t))
            def _():
                pltpu.async_copy(
                    xt.at[maskv.at[pl.ds(jbase, rg)], pl.ds(col, qw)],
                    vbufs[b], sins[b])

        def wait_in(t):
            b = t % nbuf

            @pl.when(active(t))
            def _():
                pltpu.make_async_copy(
                    xt.at[pl.ds(0, rg), pl.ds(0, qw)], vbufs[b],
                    sins[b]).wait()

        def start_out(t):
            jbase, q = jq(t)
            col = pl.multiple_of(q * qw, qw)
            b = t % nbuf

            @pl.when(active(t))
            def _():
                pltpu.async_copy(
                    vbufs[b], out_t.at[pl.ds(jbase, rg), pl.ds(col, qw)],
                    souts[b])

        def wait_out(t):
            b = t % nbuf

            @pl.when(active(t))
            def _():
                pltpu.make_async_copy(
                    vbufs[b], out_t.at[pl.ds(0, rg), pl.ds(0, qw)],
                    souts[b]).wait()

        for t in range(dahead):
            start_in(t)
        for t in range(tpw):
            wait_in(t)
            start_out(t)
            nxt = t + dahead
            if nxt < tpw:
                if nxt - nbuf >= 0:
                    wait_out(nxt - nbuf)
                start_in(nxt)
        for t in range(max(0, tpw - nbuf), tpw):
            wait_out(t)

    return sc_rowgather


def kernel(x, mask):
    n, c = x.shape
    (m,) = mask.shape
    info = plsc.get_sparse_core_info()
    fn = _build_sc_rowgather(c, n, m, info.num_cores, info.num_subcores)
    out_t = fn(x.T, mask.astype(jnp.int32))
    return out_t.T

# --- scband reference (transcript-rebuilt; emitter-appended) ---
"""Pipeline reference for scband-image-net-xmasking-layer-25975962206953 (READ-ONLY COPY).

The authoritative reference and input builder live on the scoring server;
editing this copy changes nothing except your own understanding.
"""

import jax, jax.numpy as jnp
import numpy as np


def setup_inputs(seed: int = 0) -> dict:
    key = jax.random.key(seed)
    kx, = jax.random.split(key, 1)
    x = jax.random.normal(kx, (16384, 1000), dtype=jnp.float32)
    mask = jnp.array([i * 5 for i in range(200)], dtype=jnp.int32)
    return {"x": x, "mask": mask}


def reference(x, mask):
    # x[:, self.mask] -> column gather along axis 1
    return jnp.take(x, mask, axis=1)

if __name__ == "__main__":
    import jax
    _d = setup_inputs()
    print(jax.jit(kernel)(*tuple(_d.values())))

</pallas_src>

<mosaic_0001>
#map = affine_map<(d0, d1) -> (0, 0)>
#map1 = affine_map<(d0, d1) -> (0)>
module attributes {stable_mosaic.version = 14 : i64} {
  func.func @sc_rowgather(%arg0: i32, %arg1: i32, %arg2: memref<1000x16384xf32, #tpu.memory_space<hbm>>, %arg3: memref<200xi32, #tpu.memory_space<hbm>>, %arg4: memref<200x16384xf32, #tpu.memory_space<hbm>>, %arg5: memref<208xi32, #tpu.memory_space<vmem>>, %arg6: memref<8x1024xf32, #tpu.memory_space<vmem>>, %arg7: memref<8x1024xf32, #tpu.memory_space<vmem>>, %arg8: memref<8x1024xf32, #tpu.memory_space<vmem>>, %arg9: memref<8x1024xf32, #tpu.memory_space<vmem>>, %arg10: memref<8x1024xf32, #tpu.memory_space<vmem>>, %arg11: memref<8x1024xf32, #tpu.memory_space<vmem>>, %arg12: memref<8x1024xf32, #tpu.memory_space<vmem>>, %arg13: memref<8x1024xf32, #tpu.memory_space<vmem>>, %arg14: memref<8x1024xf32, #tpu.memory_space<vmem>>, %arg15: memref<8x1024xf32, #tpu.memory_space<vmem>>, %arg16: memref<8x1024xf32, #tpu.memory_space<vmem>>, %arg17: memref<8x1024xf32, #tpu.memory_space<vmem>>, %arg18: memref<8x1024xf32, #tpu.memory_space<vmem>>, %arg19: memref<!tpu.dma_semaphore, #tpu.memory_space<semaphore_mem>>, %arg20: memref<!tpu.dma_semaphore, #tpu.memory_space<semaphore_mem>>, %arg21: memref<!tpu.dma_semaphore, #tpu.memory_space<semaphore_mem>>, %arg22: memref<!tpu.dma_semaphore, #tpu.memory_space<semaphore_mem>>, %arg23: memref<!tpu.dma_semaphore, #tpu.memory_space<semaphore_mem>>, %arg24: memref<!tpu.dma_semaphore, #tpu.memory_space<semaphore_mem>>, %arg25: memref<!tpu.dma_semaphore, #tpu.memory_space<semaphore_mem>>, %arg26: memref<!tpu.dma_semaphore, #tpu.memory_space<semaphore_mem>>, %arg27: memref<!tpu.dma_semaphore, #tpu.memory_space<semaphore_mem>>, %arg28: memref<!tpu.dma_semaphore, #tpu.memory_space<semaphore_mem>>, %arg29: memref<!tpu.dma_semaphore, #tpu.memory_space<semaphore_mem>>, %arg30: memref<!tpu.dma_semaphore, #tpu.memory_space<semaphore_mem>>, %arg31: memref<!tpu.dma_semaphore, #tpu.memory_space<semaphore_mem>>, %arg32: memref<!tpu.dma_semaphore, #tpu.memory_space<semaphore_mem>>, %arg33: memref<!tpu.dma_semaphore, #tpu.memory_space<semaphore_mem>>, %arg34: memref<!tpu.dma_semaphore, #tpu.memory_space<semaphore_mem>>, %arg35: memref<!tpu.dma_semaphore, #tpu.memory_space<semaphore_mem>>, %arg36: memref<!tpu.dma_semaphore, #tpu.memory_space<semaphore_mem>>, %arg37: memref<!tpu.dma_semaphore, #tpu.memory_space<semaphore_mem>>, %arg38: memref<!tpu.dma_semaphore, #tpu.memory_space<semaphore_mem>>, %arg39: memref<!tpu.dma_semaphore, #tpu.memory_space<semaphore_mem>>, %arg40: memref<!tpu.dma_semaphore, #tpu.memory_space<semaphore_mem>>, %arg41: memref<!tpu.dma_semaphore, #tpu.memory_space<semaphore_mem>>, %arg42: memref<!tpu.dma_semaphore, #tpu.memory_space<semaphore_mem>>, %arg43: memref<!tpu.dma_semaphore, #tpu.memory_space<semaphore_mem>>, %arg44: memref<!tpu.dma_semaphore, #tpu.memory_space<semaphore_mem>>) attributes {dimension_semantics = [#tpu.dimension_semantics<core_parallel>, #tpu.dimension_semantics<subcore_parallel>], iteration_bounds = array<i64: 2, 16>, scalar_prefetch = 0 : i64, scratch_operands = 40 : i64, tpu.core_type = #tpu.core_type<sc_vector_subcore>, window_params = [{transform_indices = #map}, {transform_indices = #map1}, {transform_indices = #map}]} {
    %mul3A = arith.constant 2 : i32
    %mul3A_0 = arith.muli %arg1, %mul3A : i32
    %add3A = arith.addi %mul3A_0, %arg0 : i32
    "tpu.region"() ({
      %run_scoped3A = tpu.sem_alloc : memref<!tpu.dma_semaphore, #tpu.memory_space<semaphore_mem>>
      %dma_start3A = arith.constant 0 : i32
      %dma_start3A_1574 = tpu.memref_slice %arg5[%dma_start3A] : memref<208xi32, #tpu.memory_space<vmem>> -> memref<200xi32, #tpu.memory_space<vmem>>
      %dma_start3A_1575 = arith.constant 0 : i32
      %dma_start3A_1576 = tpu.memref_slice %arg5[%dma_start3A_1575] : memref<208xi32, #tpu.memory_space<vmem>> -> memref<200xi32, #tpu.memory_space<vmem>>
      tpu.enqueue_dma source(%arg3 : memref<200xi32, #tpu.memory_space<hbm>>) target(%dma_start3A_1576 : memref<200xi32, #tpu.memory_space<vmem>>) target_semaphore(%run_scoped3A : memref<!tpu.dma_semaphore, #tpu.memory_space<semaphore_mem>>)
      %dma_wait3A = arith.constant 0 : i32
      %dma_wait3A_1577 = tpu.memref_slice %arg5[%dma_wait3A] : memref<208xi32, #tpu.memory_space<vmem>> -> memref<200xi32, #tpu.memory_space<vmem>>
      %dma_wait3A_1578 = arith.constant 0 : i32
      %dma_wait3A_1579 = tpu.memref_slice %arg5[%dma_wait3A_1578] : memref<208xi32, #tpu.memory_space<vmem>> -> memref<200xi32, #tpu.memory_space<vmem>>
      tpu.wait_dma2 semaphore(%run_scoped3A : memref<!tpu.dma_semaphore, #tpu.memory_space<semaphore_mem>>) src(%arg3 : memref<200xi32, #tpu.memory_space<hbm>>) dst(%dma_wait3A_1579 : memref<200xi32, #tpu.memory_space<vmem>>)
      tpu.yield
    }) : () -> ()
    %add3A_1 = arith.constant 0 : i32
    %add3A_2 = arith.addi %add3A_1, %add3A : i32
    %jit3A = arith.constant 16 : i32
    %div3A = arith.divsi %add3A_2, %jit3A : i32
    %sign3A = arith.constant 0 : i32
    %sign3A_3 = arith.cmpi sgt, %add3A_2, %sign3A : i32
    %sign3A_4 = arith.extui %sign3A_3 : i1 to i32
    %sign3A_5 = arith.constant 0 : i32
    %sign3A_6 = arith.cmpi slt, %add3A_2, %sign3A_5 : i32
    %sign3A_7 = arith.extui %sign3A_6 : i1 to i32
    %sign3A_8 = arith.subi %sign3A_4, %sign3A_7 : i32
    %sign3A_9 = arith.constant 0 : i32
    %sign3A_10 = arith.cmpi sgt, %jit3A, %sign3A_9 : i32
    %sign3A_11 = arith.extui %sign3A_10 : i1 to i32
    %sign3A_12 = arith.constant 0 : i32
    %sign3A_13 = arith.cmpi slt, %jit3A, %sign3A_12 : i32
    %sign3A_14 = arith.extui %sign3A_13 : i1 to i32
    %sign3A_15 = arith.subi %sign3A_11, %sign3A_14 : i32
    %ne3A = arith.cmpi ne, %sign3A_8, %sign3A_15 : i32
    %rem3A = arith.remsi %add3A_2, %jit3A : i32
    %ne3A_16 = arith.constant 0 : i32
    %ne3A_17 = arith.cmpi ne, %rem3A, %ne3A_16 : i32
    %and3A = arith.andi %ne3A, %ne3A_17 : i1
    %sub3A = arith.constant 1 : i32
    %sub3A_18 = arith.subi %div3A, %sub3A : i32
    %select_n3A = arith.select %and3A, %sub3A_18, %div3A : i32
    %mul3A_19 = arith.constant 8 : i32
    %mul3A_20 = arith.muli %select_n3A, %mul3A_19 : i32
    %jit3A_21 = arith.constant 16 : i32
    %eq3A = arith.constant 0 : i32
    %eq3A_22 = arith.cmpi eq, %jit3A_21, %eq3A : i32
    %jit3A_23 = arith.constant 1 : i32
    %select_n3A_24 = arith.select %eq3A_22, %jit3A_23, %jit3A_21 : i32
    %rem3A_25 = arith.remsi %add3A_2, %select_n3A_24 : i32
    %ne3A_26 = arith.constant 0 : i32
    %ne3A_27 = arith.cmpi ne, %rem3A_25, %ne3A_26 : i32
    %lt3A = arith.constant 0 : i32
    %lt3A_28 = arith.cmpi slt, %rem3A_25, %lt3A : i32
    %lt3A_29 = arith.constant 0 : i32
    %lt3A_30 = arith.cmpi slt, %select_n3A_24, %lt3A_29 : i32
    %ne3A_31 = arith.xori %lt3A_28, %lt3A_30 : i1
    %and3A_32 = arith.andi %ne3A_31, %ne3A_27 : i1
    %add3A_33 = arith.addi %rem3A_25, %select_n3A_24 : i32
    %select_n3A_34 = arith.select %and3A_32, %add3A_33, %rem3A_25 : i32
    %mul3A_35 = arith.constant 1024 : i32
    %mul3A_36 = arith.muli %select_n3A_34, %mul3A_35 : i32
    %multiple_of3A = tpu.assume_multiple %mul3A_36, 1024 : i32
    %add3A_37 = arith.constant 0 : i32
    %add3A_38 = arith.addi %add3A_37, %add3A : i32
    %lt3A_39 = arith.constant 400 : i32
    %lt3A_40 = arith.cmpi slt, %add3A_38, %lt3A_39 : i32
    %convert_element_type3A = arith.extui %lt3A_40 : i1 to i32
    %cond3A = arith.constant 0 : i32
    %cond3A_41 = arith.cmpi ne, %convert_element_type3A, %cond3A : i32
    scf.if %cond3A_41 {
      %dma_start3A = tpu.memref_slice %arg5[%mul3A_20] : memref<208xi32, #tpu.memory_space<vmem>> -> memref<8xi32, #tpu.memory_space<vmem>>
      %dma_start3A_1574 = arith.constant 0 : i32
      %dma_start3A_1575 = tpu.memref_slice %arg2[%dma_start3A_1574, %multiple_of3A] : memref<1000x16384xf32, #tpu.memory_space<hbm>> -> memref<1000x1024xf32, #tpu.memory_space<hbm>>
      tpu.enqueue_indirect_dma source(%dma_start3A_1575 : memref<1000x1024xf32, #tpu.memory_space<hbm>>) target(%arg6 : memref<8x1024xf32, #tpu.memory_space<vmem>>) offsets(%dma_start3A : memref<8xi32, #tpu.memory_space<vmem>>) semaphore(%arg19 : memref<!tpu.dma_semaphore, #tpu.memory_space<semaphore_mem>>)
    } else {
    }
    %add3A_42 = arith.constant 32 : i32
    %add3A_43 = arith.addi %add3A_42, %add3A : i32
    %jit3A_44 = arith.constant 16 : i32
    %div3A_45 = arith.divsi %add3A_43, %jit3A_44 : i32
    %sign3A_46 = arith.constant 0 : i32
    %sign3A_47 = arith.cmpi sgt, %add3A_43, %sign3A_46 : i32
    %sign3A_48 = arith.extui %sign3A_47 : i1 to i32
    %sign3A_49 = arith.constant 0 : i32
    %sign3A_50 = arith.cmpi slt, %add3A_43, %sign3A_49 : i32
    %sign3A_51 = arith.extui %sign3A_50 : i1 to i32
    %sign3A_52 = arith.subi %sign3A_48, %sign3A_51 : i32
    %sign3A_53 = arith.constant 0 : i32
    %sign3A_54 = arith.cmpi sgt, %jit3A_44, %sign3A_53 : i32
    %sign3A_55 = arith.extui %sign3A_54 : i1 to i32
    %sign3A_56 = arith.constant 0 : i32
    %sign3A_57 = arith.cmpi slt, %jit3A_44, %sign3A_56 : i32
    %sign3A_58 = arith.extui %sign3A_57 : i1 to i32
    %sign3A_59 = arith.subi %sign3A_55, %sign3A_58 : i32
    %ne3A_60 = arith.cmpi ne, %sign3A_52, %sign3A_59 : i32
    %rem3A_61 = arith.remsi %add3A_43, %jit3A_44 : i32
    %ne3A_62 = arith.constant 0 : i32
    %ne3A_63 = arith.cmpi ne, %rem3A_61, %ne3A_62 : i32
    %and3A_64 = arith.andi %ne3A_60, %ne3A_63 : i1
    %sub3A_65 = arith.constant 1 : i32
    %sub3A_66 = arith.subi %div3A_45, %sub3A_65 : i32
    %select_n3A_67 = arith.select %and3A_64, %sub3A_66, %div3A_45 : i32
    %mul3A_68 = arith.constant 8 : i32
    %mul3A_69 = arith.muli %select_n3A_67, %mul3A_68 : i32
    %jit3A_70 = arith.constant 16 : i32
    %eq3A_71 = arith.constant 0 : i32
    %eq3A_72 = arith.cmpi eq, %jit3A_70, %eq3A_71 : i32
    %jit3A_73 = arith.constant 1 : i32
    %select_n3A_74 = arith.select %eq3A_72, %jit3A_73, %jit3A_70 : i32
    %rem3A_75 = arith.remsi %add3A_43, %select_n3A_74 : i32
    %ne3A_76 = arith.constant 0 : i32
    %ne3A_77 = arith.cmpi ne, %rem3A_75, %ne3A_76 : i32
    %lt3A_78 = arith.constant 0 : i32
    %lt3A_79 = arith.cmpi slt, %rem3A_75, %lt3A_78 : i32
    %lt3A_80 = arith.constant 0 : i32
    %lt3A_81 = arith.cmpi slt, %select_n3A_74, %lt3A_80 : i32
    %ne3A_82 = arith.xori %lt3A_79, %lt3A_81 : i1
    %and3A_83 = arith.andi %ne3A_82, %ne3A_77 : i1
    %add3A_84 = arith.addi %rem3A_75, %select_n3A_74 : i32
    %select_n3A_85 = arith.select %and3A_83, %add3A_84, %rem3A_75 : i32
    %mul3A_86 = arith.constant 1024 : i32
    %mul3A_87 = arith.muli %select_n3A_85, %mul3A_86 : i32
    %multiple_of3A_88 = tpu.assume_multiple %mul3A_87, 1024 : i32
    %add3A_89 = arith.constant 32 : i32
    %add3A_90 = arith.addi %add3A_89, %add3A : i32
    %lt3A_91 = arith.constant 400 : i32
    %lt3A_92 = arith.cmpi slt, %add3A_90, %lt3A_91 : i32
    %convert_element_type3A_93 = arith.extui %lt3A_92 : i1 to i32
    %cond3A_94 = arith.constant 0 : i32
    %cond3A_95 = arith.cmpi ne, %convert_element_type3A_93, %cond3A_94 : i32
    scf.if %cond3A_95 {
      %dma_start3A = tpu.memref_slice %arg5[%mul3A_69] : memref<208xi32, #tpu.memory_space<vmem>> -> memref<8xi32, #tpu.memory_space<vmem>>
      %dma_start3A_1574 = arith.constant 0 : i32
      %dma_start3A_1575 = tpu.memref_slice %arg2[%dma_start3A_1574, %multiple_of3A_88] : memref<1000x16384xf32, #tpu.memory_space<hbm>> -> memref<1000x1024xf32, #tpu.memory_space<hbm>>
      tpu.enqueue_indirect_dma source(%dma_start3A_1575 : memref<1000x1024xf32, #tpu.memory_space<hbm>>) target(%arg7 : memref<8x1024xf32, #tpu.memory_space<vmem>>) offsets(%dma_start3A : memref<8xi32, #tpu.memory_space<vmem>>) semaphore(%arg20 : memref<!tpu.dma_semaphore, #tpu.memory_space<semaphore_mem>>)
    } else {
    }
    %add3A_96 = arith.constant 64 : i32
    %add3A_97 = arith.addi %add3A_96, %add3A : i32
    %jit3A_98 = arith.constant 16 : i32
    %div3A_99 = arith.divsi %add3A_97, %jit3A_98 : i32
    %sign3A_100 = arith.constant 0 : i32
    %sign3A_101 = arith.cmpi sgt, %add3A_97, %sign3A_100 : i32
    %sign3A_102 = arith.extui %sign3A_101 : i1 to i32
    %sign3A_103 = arith.constant 0 : i32
    %sign3A_104 = arith.cmpi slt, %add3A_97, %sign3A_103 : i32
    %sign3A_105 = arith.extui %sign3A_104 : i1 to i32
    %sign3A_106 = arith.subi %sign3A_102, %sign3A_105 : i32
    %sign3A_107 = arith.constant 0 : i32
    %sign3A_108 = arith.cmpi sgt, %jit3A_98, %sign3A_107 : i32
    %sign3A_109 = arith.extui %sign3A_108 : i1 to i32
    %sign3A_110 = arith.constant 0 : i32
    %sign3A_111 = arith.cmpi slt, %jit3A_98, %sign3A_110 : i32
    %sign3A_112 = arith.extui %sign3A_111 : i1 to i32
    %sign3A_113 = arith.subi %sign3A_109, %sign3A_112 : i32
    %ne3A_114 = arith.cmpi ne, %sign3A_106, %sign3A_113 : i32
    %rem3A_115 = arith.remsi %add3A_97, %jit3A_98 : i32
    %ne3A_116 = arith.constant 0 : i32
    %ne3A_117 = arith.cmpi ne, %rem3A_115, %ne3A_116 : i32
    %and3A_118 = arith.andi %ne3A_114, %ne3A_117 : i1
    %sub3A_119 = arith.constant 1 : i32
    %sub3A_120 = arith.subi %div3A_99, %sub3A_119 : i32
    %select_n3A_121 = arith.select %and3A_118, %sub3A_120, %div3A_99 : i32
    %mul3A_122 = arith.constant 8 : i32
    %mul3A_123 = arith.muli %select_n3A_121, %mul3A_122 : i32
    %jit3A_124 = arith.constant 16 : i32
    %eq3A_125 = arith.constant 0 : i32
    %eq3A_126 = arith.cmpi eq, %jit3A_124, %eq3A_125 : i32
    %jit3A_127 = arith.constant 1 : i32
    %select_n3A_128 = arith.select %eq3A_126, %jit3A_127, %jit3A_124 : i32
    %rem3A_129 = arith.remsi %add3A_97, %select_n3A_128 : i32
    %ne3A_130 = arith.constant 0 : i32
    %ne3A_131 = arith.cmpi ne, %rem3A_129, %ne3A_130 : i32
    %lt3A_132 = arith.constant 0 : i32
    %lt3A_133 = arith.cmpi slt, %rem3A_129, %lt3A_132 : i32
    %lt3A_134 = arith.constant 0 : i32
    %lt3A_135 = arith.cmpi slt, %select_n3A_128, %lt3A_134 : i32
    %ne3A_136 = arith.xori %lt3A_133, %lt3A_135 : i1
    %and3A_137 = arith.andi %ne3A_136, %ne3A_131 : i1
    %add3A_138 = arith.addi %rem3A_129, %select_n3A_128 : i32
    %select_n3A_139 = arith.select %and3A_137, %add3A_138, %rem3A_129 : i32
    %mul3A_140 = arith.constant 1024 : i32
    %mul3A_141 = arith.muli %select_n3A_139, %mul3A_140 : i32
    %multiple_of3A_142 = tpu.assume_multiple %mul3A_141, 1024 : i32
    %add3A_143 = arith.constant 64 : i32
    %add3A_144 = arith.addi %add3A_143, %add3A : i32
    %lt3A_145 = arith.constant 400 : i32
    %lt3A_146 = arith.cmpi slt, %add3A_144, %lt3A_145 : i32
    %convert_element_type3A_147 = arith.extui %lt3A_146 : i1 to i32
    %cond3A_148 = arith.constant 0 : i32
    %cond3A_149 = arith.cmpi ne, %convert_element_type3A_147, %cond3A_148 : i32
    scf.if %cond3A_149 {
      %dma_start3A = tpu.memref_slice %arg5[%mul3A_123] : memref<208xi32, #tpu.memory_space<vmem>> -> memref<8xi32, #tpu.memory_space<vmem>>
      %dma_start3A_1574 = arith.constant 0 : i32
      %dma_start3A_1575 = tpu.memref_slice %arg2[%dma_start3A_1574, %multiple_of3A_142] : memref<1000x16384xf32, #tpu.memory_space<hbm>> -> memref<1000x1024xf32, #tpu.memory_space<hbm>>
      tpu.enqueue_indirect_dma source(%dma_start3A_1575 : memref<1000x1024xf32, #tpu.memory_space<hbm>>) target(%arg8 : memref<8x1024xf32, #tpu.memory_space<vmem>>) offsets(%dma_start3A : memref<8xi32, #tpu.memory_space<vmem>>) semaphore(%arg21 : memref<!tpu.dma_semaphore, #tpu.memory_space<semaphore_mem>>)
    } else {
    }
    %add3A_150 = arith.constant 96 : i32
    %add3A_151 = arith.addi %add3A_150, %add3A : i32
    %jit3A_152 = arith.constant 16 : i32
    %div3A_153 = arith.divsi %add3A_151, %jit3A_152 : i32
    %sign3A_154 = arith.constant 0 : i32
    %sign3A_155 = arith.cmpi sgt, %add3A_151, %sign3A_154 : i32
    %sign3A_156 = arith.extui %sign3A_155 : i1 to i32
    %sign3A_157 = arith.constant 0 : i32
    %sign3A_158 = arith.cmpi slt, %add3A_151, %sign3A_157 : i32
    %sign3A_159 = arith.extui %sign3A_158 : i1 to i32
    %sign3A_160 = arith.subi %sign3A_156, %sign3A_159 : i32
    %sign3A_161 = arith.constant 0 : i32
    %sign3A_162 = arith.cmpi sgt, %jit3A_152, %sign3A_161 : i32
    %sign3A_163 = arith.extui %sign3A_162 : i1 to i32
    %sign3A_164 = arith.constant 0 : i32
    %sign3A_165 = arith.cmpi slt, %jit3A_152, %sign3A_164 : i32
    %sign3A_166 = arith.extui %sign3A_165 : i1 to i32
    %sign3A_167 = arith.subi %sign3A_163, %sign3A_166 : i32
    %ne3A_168 = arith.cmpi ne, %sign3A_160, %sign3A_167 : i32
    %rem3A_169 = arith.remsi %add3A_151, %jit3A_152 : i32
    %ne3A_170 = arith.constant 0 : i32
    %ne3A_171 = arith.cmpi ne, %rem3A_169, %ne3A_170 : i32
    %and3A_172 = arith.andi %ne3A_168, %ne3A_171 : i1
    %sub3A_173 = arith.constant 1 : i32
    %sub3A_174 = arith.subi %div3A_153, %sub3A_173 : i32
    %select_n3A_175 = arith.select %and3A_172, %sub3A_174, %div3A_153 : i32
    %mul3A_176 = arith.constant 8 : i32
    %mul3A_177 = arith.muli %select_n3A_175, %mul3A_176 : i32
    %jit3A_178 = arith.constant 16 : i32
    %eq3A_179 = arith.constant 0 : i32
    %eq3A_180 = arith.cmpi eq, %jit3A_178, %eq3A_179 : i32
    %jit3A_181 = arith.constant 1 : i32
    %select_n3A_182 = arith.select %eq3A_180, %jit3A_181, %jit3A_178 : i32
    %rem3A_183 = arith.remsi %add3A_151, %select_n3A_182 : i32
    %ne3A_184 = arith.constant 0 : i32
    %ne3A_185 = arith.cmpi ne, %rem3A_183, %ne3A_184 : i32
    %lt3A_186 = arith.constant 0 : i32
    %lt3A_187 = arith.cmpi slt, %rem3A_183, %lt3A_186 : i32
    %lt3A_188 = arith.constant 0 : i32
    %lt3A_189 = arith.cmpi slt, %select_n3A_182, %lt3A_188 : i32
    %ne3A_190 = arith.xori %lt3A_187, %lt3A_189 : i1
    %and3A_191 = arith.andi %ne3A_190, %ne3A_185 : i1
    %add3A_192 = arith.addi %rem3A_183, %select_n3A_182 : i32
    %select_n3A_193 = arith.select %and3A_191, %add3A_192, %rem3A_183 : i32
    %mul3A_194 = arith.constant 1024 : i32
    %mul3A_195 = arith.muli %select_n3A_193, %mul3A_194 : i32
    %multiple_of3A_196 = tpu.assume_multiple %mul3A_195, 1024 : i32
    %add3A_197 = arith.constant 96 : i32
    %add3A_198 = arith.addi %add3A_197, %add3A : i32
    %lt3A_199 = arith.constant 400 : i32
    %lt3A_200 = arith.cmpi slt, %add3A_198, %lt3A_199 : i32
    %convert_element_type3A_201 = arith.extui %lt3A_200 : i1 to i32
    %cond3A_202 = arith.constant 0 : i32
    %cond3A_203 = arith.cmpi ne, %convert_element_type3A_201, %cond3A_202 : i32
    scf.if %cond3A_203 {
      %dma_start3A = tpu.memref_slice %arg5[%mul3A_177] : memref<208xi32, #tpu.memory_space<vmem>> -> memref<8xi32, #tpu.memory_space<vmem>>
      %dma_start3A_1574 = arith.constant 0 : i32
      %dma_start3A_1575 = tpu.memref_slice %arg2[%dma_start3A_1574, %multiple_of3A_196] : memref<1000x16384xf32, #tpu.memory_space<hbm>> -> memref<1000x1024xf32, #tpu.memory_space<hbm>>
      tpu.enqueue_indirect_dma source(%dma_start3A_1575 : memref<1000x1024xf32, #tpu.memory_space<hbm>>) target(%arg9 : memref<8x1024xf32, #tpu.memory_space<vmem>>) offsets(%dma_start3A : memref<8xi32, #tpu.memory_space<vmem>>) semaphore(%arg22 : memref<!tpu.dma_semaphore, #tpu.memory_space<semaphore_mem>>)
    } else {
    }
    %add3A_204 = arith.constant 128 : i32
    %add3A_205 = arith.addi %add3A_204, %add3A : i32
    %jit3A_206 = arith.constant 16 : i32
    %div3A_207 = arith.divsi %add3A_205, %jit3A_206 : i32
    %sign3A_208 = arith.constant 0 : i32
    %sign3A_209 = arith.cmpi sgt, %add3A_205, %sign3A_208 : i32
    %sign3A_210 = arith.extui %sign3A_209 : i1 to i32
    %sign3A_211 = arith.constant 0 : i32
    %sign3A_212 = arith.cmpi slt, %add3A_205, %sign3A_211 : i32
    %sign3A_213 = arith.extui %sign3A_212 : i1 to i32
    %sign3A_214 = arith.subi %sign3A_210, %sign3A_213 : i32
    %sign3A_215 = arith.constant 0 : i32
    %sign3A_216 = arith.cmpi sgt, %jit3A_206, %sign3A_215 : i32
    %sign3A_217 = arith.extui %sign3A_216 : i1 to i32
    %sign3A_218 = arith.constant 0 : i32
    %sign3A_219 = arith.cmpi slt, %jit3A_206, %sign3A_218 : i32
    %sign3A_220 = arith.extui %sign3A_219 : i1 to i32
    %sign3A_221 = arith.subi %sign3A_217, %sign3A_220 : i32
    %ne3A_222 = arith.cmpi ne, %sign3A_214, %sign3A_221 : i32
    %rem3A_223 = arith.remsi %add3A_205, %jit3A_206 : i32
    %ne3A_224 = arith.constant 0 : i32
    %ne3A_225 = arith.cmpi ne, %rem3A_223, %ne3A_224 : i32
    %and3A_226 = arith.andi %ne3A_222, %ne3A_225 : i1
    %sub3A_227 = arith.constant 1 : i32
    %sub3A_228 = arith.subi %div3A_207, %sub3A_227 : i32
    %select_n3A_229 = arith.select %and3A_226, %sub3A_228, %div3A_207 : i32
    %mul3A_230 = arith.constant 8 : i32
    %mul3A_231 = arith.muli %select_n3A_229, %mul3A_230 : i32
    %jit3A_232 = arith.constant 16 : i32
    %eq3A_233 = arith.constant 0 : i32
    %eq3A_234 = arith.cmpi eq, %jit3A_232, %eq3A_233 : i32
    %jit3A_235 = arith.constant 1 : i32
    %select_n3A_236 = arith.select %eq3A_234, %jit3A_235, %jit3A_232 : i32
    %rem3A_237 = arith.remsi %add3A_205, %select_n3A_236 : i32
    %ne3A_238 = arith.constant 0 : i32
    %ne3A_239 = arith.cmpi ne, %rem3A_237, %ne3A_238 : i32
    %lt3A_240 = arith.constant 0 : i32
    %lt3A_241 = arith.cmpi slt, %rem3A_237, %lt3A_240 : i32
    %lt3A_242 = arith.constant 0 : i32
    %lt3A_243 = arith.cmpi slt, %select_n3A_236, %lt3A_242 : i32
    %ne3A_244 = arith.xori %lt3A_241, %lt3A_243 : i1
    %and3A_245 = arith.andi %ne3A_244, %ne3A_239 : i1
    %add3A_246 = arith.addi %rem3A_237, %select_n3A_236 : i32
    %select_n3A_247 = arith.select %and3A_245, %add3A_246, %rem3A_237 : i32
    %mul3A_248 = arith.constant 1024 : i32
    %mul3A_249 = arith.muli %select_n3A_247, %mul3A_248 : i32
    %multiple_of3A_250 = tpu.assume_multiple %mul3A_249, 1024 : i32
    %add3A_251 = arith.constant 128 : i32
    %add3A_252 = arith.addi %add3A_251, %add3A : i32
    %lt3A_253 = arith.constant 400 : i32
    %lt3A_254 = arith.cmpi slt, %add3A_252, %lt3A_253 : i32
    %convert_element_type3A_255 = arith.extui %lt3A_254 : i1 to i32
    %cond3A_256 = arith.constant 0 : i32
    %cond3A_257 = arith.cmpi ne, %convert_element_type3A_255, %cond3A_256 : i32
    scf.if %cond3A_257 {
      %dma_start3A = tpu.memref_slice %arg5[%mul3A_231] : memref<208xi32, #tpu.memory_space<vmem>> -> memref<8xi32, #tpu.memory_space<vmem>>
      %dma_start3A_1574 = arith.constant 0 : i32
      %dma_start3A_1575 = tpu.memref_slice %arg2[%dma_start3A_1574, %multiple_of3A_250] : memref<1000x16384xf32, #tpu.memory_space<hbm>> -> memref<1000x1024xf32, #tpu.memory_space<hbm>>
      tpu.enqueue_indirect_dma source(%dma_start3A_1575 : memref<1000x1024xf32, #tpu.memory_space<hbm>>) target(%arg10 : memref<8x1024xf32, #tpu.memory_space<vmem>>) offsets(%dma_start3A : memref<8xi32, #tpu.memory_space<vmem>>) semaphore(%arg23 : memref<!tpu.dma_semaphore, #tpu.memory_space<semaphore_mem>>)
    } else {
    }
    %add3A_258 = arith.constant 160 : i32
    %add3A_259 = arith.addi %add3A_258, %add3A : i32
    %jit3A_260 = arith.constant 16 : i32
    %div3A_261 = arith.divsi %add3A_259, %jit3A_260 : i32
    %sign3A_262 = arith.constant 0 : i32
    %sign3A_263 = arith.cmpi sgt, %add3A_259, %sign3A_262 : i32
    %sign3A_264 = arith.extui %sign3A_263 : i1 to i32
    %sign3A_265 = arith.constant 0 : i32
    %sign3A_266 = arith.cmpi slt, %add3A_259, %sign3A_265 : i32
    %sign3A_267 = arith.extui %sign3A_266 : i1 to i32
    %sign3A_268 = arith.subi %sign3A_264, %sign3A_267 : i32
    %sign3A_269 = arith.constant 0 : i32
    %sign3A_270 = arith.cmpi sgt, %jit3A_260, %sign3A_269 : i32
    %sign3A_271 = arith.extui %sign3A_270 : i1 to i32
    %sign3A_272 = arith.constant 0 : i32
    %sign3A_273 = arith.cmpi slt, %jit3A_260, %sign3A_272 : i32
    %sign3A_274 = arith.extui %sign3A_273 : i1 to i32
    %sign3A_275 = arith.subi %sign3A_271, %sign3A_274 : i32
    %ne3A_276 = arith.cmpi ne, %sign3A_268, %sign3A_275 : i32
    %rem3A_277 = arith.remsi %add3A_259, %jit3A_260 : i32
    %ne3A_278 = arith.constant 0 : i32
    %ne3A_279 = arith.cmpi ne, %rem3A_277, %ne3A_278 : i32
    %and3A_280 = arith.andi %ne3A_276, %ne3A_279 : i1
    %sub3A_281 = arith.constant 1 : i32
    %sub3A_282 = arith.subi %div3A_261, %sub3A_281 : i32
    %select_n3A_283 = arith.select %and3A_280, %sub3A_282, %div3A_261 : i32
    %mul3A_284 = arith.constant 8 : i32
    %mul3A_285 = arith.muli %select_n3A_283, %mul3A_284 : i32
    %jit3A_286 = arith.constant 16 : i32
    %eq3A_287 = arith.constant 0 : i32
    %eq3A_288 = arith.cmpi eq, %jit3A_286, %eq3A_287 : i32
    %jit3A_289 = arith.constant 1 : i32
    %select_n3A_290 = arith.select %eq3A_288, %jit3A_289, %jit3A_286 : i32
    %rem3A_291 = arith.remsi %add3A_259, %select_n3A_290 : i32
    %ne3A_292 = arith.constant 0 : i32
    %ne3A_293 = arith.cmpi ne, %rem3A_291, %ne3A_292 : i32
    %lt3A_294 = arith.constant 0 : i32
    %lt3A_295 = arith.cmpi slt, %rem3A_291, %lt3A_294 : i32
    %lt3A_296 = arith.constant 0 : i32
    %lt3A_297 = arith.cmpi slt, %select_n3A_290, %lt3A_296 : i32
    %ne3A_298 = arith.xori %lt3A_295, %lt3A_297 : i1
    %and3A_299 = arith.andi %ne3A_298, %ne3A_293 : i1
    %add3A_300 = arith.addi %rem3A_291, %select_n3A_290 : i32
    %select_n3A_301 = arith.select %and3A_299, %add3A_300, %rem3A_291 : i32
    %mul3A_302 = arith.constant 1024 : i32
    %mul3A_303 = arith.muli %select_n3A_301, %mul3A_302 : i32
    %multiple_of3A_304 = tpu.assume_multiple %mul3A_303, 1024 : i32
    %add3A_305 = arith.constant 160 : i32
    %add3A_306 = arith.addi %add3A_305, %add3A : i32
    %lt3A_307 = arith.constant 400 : i32
    %lt3A_308 = arith.cmpi slt, %add3A_306, %lt3A_307 : i32
    %convert_element_type3A_309 = arith.extui %lt3A_308 : i1 to i32
    %cond3A_310 = arith.constant 0 : i32
    %cond3A_311 = arith.cmpi ne, %convert_element_type3A_309, %cond3A_310 : i32
    scf.if %cond3A_311 {
      %dma_start3A = tpu.memref_slice %arg5[%mul3A_285] : memref<208xi32, #tpu.memory_space<vmem>> -> memref<8xi32, #tpu.memory_space<vmem>>
      %dma_start3A_1574 = arith.constant 0 : i32
      %dma_start3A_1575 = tpu.memref_slice %arg2[%dma_start3A_1574, %multiple_of3A_304] : memref<1000x16384xf32, #tpu.memory_space<hbm>> -> memref<1000x1024xf32, #tpu.memory_space<hbm>>
      tpu.enqueue_indirect_dma source(%dma_start3A_1575 : memref<1000x1024xf32, #tpu.memory_space<hbm>>) target(%arg11 : memref<8x1024xf32, #tpu.memory_space<vmem>>) offsets(%dma_start3A : memref<8xi32, #tpu.memory_space<vmem>>) semaphore(%arg24 : memref<!tpu.dma_semaphore, #tpu.memory_space<semaphore_mem>>)
    } else {
    }
    %add3A_312 = arith.constant 192 : i32
    %add3A_313 = arith.addi %add3A_312, %add3A : i32
    %jit3A_314 = arith.constant 16 : i32
    %div3A_315 = arith.divsi %add3A_313, %jit3A_314 : i32
    %sign3A_316 = arith.constant 0 : i32
    %sign3A_317 = arith.cmpi sgt, %add3A_313, %sign3A_316 : i32
    %sign3A_318 = arith.extui %sign3A_317 : i1 to i32
    %sign3A_319 = arith.constant 0 : i32
    %sign3A_320 = arith.cmpi slt, %add3A_313, %sign3A_319 : i32
    %sign3A_321 = arith.extui %sign3A_320 : i1 to i32
    %sign3A_322 = arith.subi %sign3A_318, %sign3A_321 : i32
    %sign3A_323 = arith.constant 0 : i32
    %sign3A_324 = arith.cmpi sgt, %jit3A_314, %sign3A_323 : i32
    %sign3A_325 = arith.extui %sign3A_324 : i1 to i32
    %sign3A_326 = arith.constant 0 : i32
    %sign3A_327 = arith.cmpi slt, %jit3A_314, %sign3A_326 : i32
    %sign3A_328 = arith.extui %sign3A_327 : i1 to i32
    %sign3A_329 = arith.subi %sign3A_325, %sign3A_328 : i32
    %ne3A_330 = arith.cmpi ne, %sign3A_322, %sign3A_329 : i32
    %rem3A_331 = arith.remsi %add3A_313, %jit3A_314 : i32
    %ne3A_332 = arith.constant 0 : i32
    %ne3A_333 = arith.cmpi ne, %rem3A_331, %ne3A_332 : i32
    %and3A_334 = arith.andi %ne3A_330, %ne3A_333 : i1
    %sub3A_335 = arith.constant 1 : i32
    %sub3A_336 = arith.subi %div3A_315, %sub3A_335 : i32
    %select_n3A_337 = arith.select %and3A_334, %sub3A_336, %div3A_315 : i32
    %mul3A_338 = arith.constant 8 : i32
    %mul3A_339 = arith.muli %select_n3A_337, %mul3A_338 : i32
    %jit3A_340 = arith.constant 16 : i32
    %eq3A_341 = arith.constant 0 : i32
    %eq3A_342 = arith.cmpi eq, %jit3A_340, %eq3A_341 : i32
    %jit3A_343 = arith.constant 1 : i32
    %select_n3A_344 = arith.select %eq3A_342, %jit3A_343, %jit3A_340 : i32
    %rem3A_345 = arith.remsi %add3A_313, %select_n3A_344 : i32
    %ne3A_346 = arith.constant 0 : i32
    %ne3A_347 = arith.cmpi ne, %rem3A_345, %ne3A_346 : i32
    %lt3A_348 = arith.constant 0 : i32
    %lt3A_349 = arith.cmpi slt, %rem3A_345, %lt3A_348 : i32
    %lt3A_350 = arith.constant 0 : i32
    %lt3A_351 = arith.cmpi slt, %select_n3A_344, %lt3A_350 : i32
    %ne3A_352 = arith.xori %lt3A_349, %lt3A_351 : i1
    %and3A_353 = arith.andi %ne3A_352, %ne3A_347 : i1
    %add3A_354 = arith.addi %rem3A_345, %select_n3A_344 : i32
    %select_n3A_355 = arith.select %and3A_353, %add3A_354, %rem3A_345 : i32
    %mul3A_356 = arith.constant 1024 : i32
    %mul3A_357 = arith.muli %select_n3A_355, %mul3A_356 : i32
    %multiple_of3A_358 = tpu.assume_multiple %mul3A_357, 1024 : i32
    %add3A_359 = arith.constant 192 : i32
    %add3A_360 = arith.addi %add3A_359, %add3A : i32
    %lt3A_361 = arith.constant 400 : i32
    %lt3A_362 = arith.cmpi slt, %add3A_360, %lt3A_361 : i32
    %convert_element_type3A_363 = arith.extui %lt3A_362 : i1 to i32
    %cond3A_364 = arith.constant 0 : i32
    %cond3A_365 = arith.cmpi ne, %convert_element_type3A_363, %cond3A_364 : i32
    scf.if %cond3A_365 {
      %dma_start3A = tpu.memref_slice %arg5[%mul3A_339] : memref<208xi32, #tpu.memory_space<vmem>> -> memref<8xi32, #tpu.memory_space<vmem>>
      %dma_start3A_1574 = arith.constant 0 : i32
      %dma_start3A_1575 = tpu.memref_slice %arg2[%dma_start3A_1574, %multiple_of3A_358] : memref<1000x16384xf32, #tpu.memory_space<hbm>> -> memref<1000x1024xf32, #tpu.memory_space<hbm>>
      tpu.enqueue_indirect_dma source(%dma_start3A_1575 : memref<1000x1024xf32, #tpu.memory_space<hbm>>) target(%arg12 : memref<8x1024xf32, #tpu.memory_space<vmem>>) offsets(%dma_start3A : memref<8xi32, #tpu.memory_space<vmem>>) semaphore(%arg25 : memref<!tpu.dma_semaphore, #tpu.memory_space<semaphore_mem>>)
    } else {
    }
    %add3A_366 = arith.constant 224 : i32
    %add3A_367 = arith.addi %add3A_366, %add3A : i32
    %jit3A_368 = arith.constant 16 : i32
    %div3A_369 = arith.divsi %add3A_367, %jit3A_368 : i32
    %sign3A_370 = arith.constant 0 : i32
    %sign3A_371 = arith.cmpi sgt, %add3A_367, %sign3A_370 : i32
    %sign3A_372 = arith.extui %sign3A_371 : i1 to i32
    %sign3A_373 = arith.constant 0 : i32
    %sign3A_374 = arith.cmpi slt, %add3A_367, %sign3A_373 : i32
    %sign3A_375 = arith.extui %sign3A_374 : i1 to i32
    %sign3A_376 = arith.subi %sign3A_372, %sign3A_375 : i32
    %sign3A_377 = arith.constant 0 : i32
    %sign3A_378 = arith.cmpi sgt, %jit3A_368, %sign3A_377 : i32
    %sign3A_379 = arith.extui %sign3A_378 : i1 to i32
    %sign3A_380 = arith.constant 0 : i32
    %sign3A_381 = arith.cmpi slt, %jit3A_368, %sign3A_380 : i32
    %sign3A_382 = arith.extui %sign3A_381 : i1 to i32
    %sign3A_383 = arith.subi %sign3A_379, %sign3A_382 : i32
    %ne3A_384 = arith.cmpi ne, %sign3A_376, %sign3A_383 : i32
    %rem3A_385 = arith.remsi %add3A_367, %jit3A_368 : i32
    %ne3A_386 = arith.constant 0 : i32
    %ne3A_387 = arith.cmpi ne, %rem3A_385, %ne3A_386 : i32
    %and3A_388 = arith.andi %ne3A_384, %ne3A_387 : i1
    %sub3A_389 = arith.constant 1 : i32
    %sub3A_390 = arith.subi %div3A_369, %sub3A_389 : i32
    %select_n3A_391 = arith.select %and3A_388, %sub3A_390, %div3A_369 : i32
    %mul3A_392 = arith.constant 8 : i32
    %mul3A_393 = arith.muli %select_n3A_391, %mul3A_392 : i32
    %jit3A_394 = arith.constant 16 : i32
    %eq3A_395 = arith.constant 0 : i32
    %eq3A_396 = arith.cmpi eq, %jit3A_394, %eq3A_395 : i32
    %jit3A_397 = arith.constant 1 : i32
    %select_n3A_398 = arith.select %eq3A_396, %jit3A_397, %jit3A_394 : i32
    %rem3A_399 = arith.remsi %add3A_367, %select_n3A_398 : i32
    %ne3A_400 = arith.constant 0 : i32
    %ne3A_401 = arith.cmpi ne, %rem3A_399, %ne3A_400 : i32
    %lt3A_402 = arith.constant 0 : i32
    %lt3A_403 = arith.cmpi slt, %rem3A_399, %lt3A_402 : i32
    %lt3A_404 = arith.constant 0 : i32
    %lt3A_405 = arith.cmpi slt, %select_n3A_398, %lt3A_404 : i32
    %ne3A_406 = arith.xori %lt3A_403, %lt3A_405 : i1
    %and3A_407 = arith.andi %ne3A_406, %ne3A_401 : i1
    %add3A_408 = arith.addi %rem3A_399, %select_n3A_398 : i32
    %select_n3A_409 = arith.select %and3A_407, %add3A_408, %rem3A_399 : i32
    %mul3A_410 = arith.constant 1024 : i32
    %mul3A_411 = arith.muli %select_n3A_409, %mul3A_410 : i32
    %multiple_of3A_412 = tpu.assume_multiple %mul3A_411, 1024 : i32
    %add3A_413 = arith.constant 224 : i32
    %add3A_414 = arith.addi %add3A_413, %add3A : i32
    %lt3A_415 = arith.constant 400 : i32
    %lt3A_416 = arith.cmpi slt, %add3A_414, %lt3A_415 : i32
    %convert_element_type3A_417 = arith.extui %lt3A_416 : i1 to i32
    %cond3A_418 = arith.constant 0 : i32
    %cond3A_419 = arith.cmpi ne, %convert_element_type3A_417, %cond3A_418 : i32
    scf.if %cond3A_419 {
      %dma_start3A = tpu.memref_slice %arg5[%mul3A_393] : memref<208xi32, #tpu.memory_space<vmem>> -> memref<8xi32, #tpu.memory_space<vmem>>
      %dma_start3A_1574 = arith.constant 0 : i32
      %dma_start3A_1575 = tpu.memref_slice %arg2[%dma_start3A_1574, %multiple_of3A_412] : memref<1000x16384xf32, #tpu.memory_space<hbm>> -> memref<1000x1024xf32, #tpu.memory_space<hbm>>
      tpu.enqueue_indirect_dma source(%dma_start3A_1575 : memref<1000x1024xf32, #tpu.memory_space<hbm>>) target(%arg13 : memref<8x1024xf32, #tpu.memory_space<vmem>>) offsets(%dma_start3A : memref<8xi32, #tpu.memory_space<vmem>>) semaphore(%arg26 : memref<!tpu.dma_semaphore, #tpu.memory_space<semaphore_mem>>)
    } else {
    }
    %add3A_420 = arith.constant 256 : i32
    %add3A_421 = arith.addi %add3A_420, %add3A : i32
    %jit3A_422 = arith.constant 16 : i32
    %div3A_423 = arith.divsi %add3A_421, %jit3A_422 : i32
    %sign3A_424 = arith.constant 0 : i32
    %sign3A_425 = arith.cmpi sgt, %add3A_421, %sign3A_424 : i32
    %sign3A_426 = arith.extui %sign3A_425 : i1 to i32
    %sign3A_427 = arith.constant 0 : i32
    %sign3A_428 = arith.cmpi slt, %add3A_421, %sign3A_427 : i32
    %sign3A_429 = arith.extui %sign3A_428 : i1 to i32
    %sign3A_430 = arith.subi %sign3A_426, %sign3A_429 : i32
    %sign3A_431 = arith.constant 0 : i32
    %sign3A_432 = arith.cmpi sgt, %jit3A_422, %sign3A_431 : i32
    %sign3A_433 = arith.extui %sign3A_432 : i1 to i32
    %sign3A_434 = arith.constant 0 : i32
    %sign3A_435 = arith.cmpi slt, %jit3A_422, %sign3A_434 : i32
    %sign3A_436 = arith.extui %sign3A_435 : i1 to i32
    %sign3A_437 = arith.subi %sign3A_433, %sign3A_436 : i32
    %ne3A_438 = arith.cmpi ne, %sign3A_430, %sign3A_437 : i32
    %rem3A_439 = arith.remsi %add3A_421, %jit3A_422 : i32
    %ne3A_440 = arith.constant 0 : i32
    %ne3A_441 = arith.cmpi ne, %rem3A_439, %ne3A_440 : i32
    %and3A_442 = arith.andi %ne3A_438, %ne3A_441 : i1
    %sub3A_443 = arith.constant 1 : i32
    %sub3A_444 = arith.subi %div3A_423, %sub3A_443 : i32
    %select_n3A_445 = arith.select %and3A_442, %sub3A_444, %div3A_423 : i32
    %mul3A_446 = arith.constant 8 : i32
    %mul3A_447 = arith.muli %select_n3A_445, %mul3A_446 : i32
    %jit3A_448 = arith.constant 16 : i32
    %eq3A_449 = arith.constant 0 : i32
    %eq3A_450 = arith.cmpi eq, %jit3A_448, %eq3A_449 : i32
    %jit3A_451 = arith.constant 1 : i32
    %select_n3A_452 = arith.select %eq3A_450, %jit3A_451, %jit3A_448 : i32
    %rem3A_453 = arith.remsi %add3A_421, %select_n3A_452 : i32
    %ne3A_454 = arith.constant 0 : i32
    %ne3A_455 = arith.cmpi ne, %rem3A_453, %ne3A_454 : i32
    %lt3A_456 = arith.constant 0 : i32
    %lt3A_457 = arith.cmpi slt, %rem3A_453, %lt3A_456 : i32
    %lt3A_458 = arith.constant 0 : i32
    %lt3A_459 = arith.cmpi slt, %select_n3A_452, %lt3A_458 : i32
    %ne3A_460 = arith.xori %lt3A_457, %lt3A_459 : i1
    %and3A_461 = arith.andi %ne3A_460, %ne3A_455 : i1
    %add3A_462 = arith.addi %rem3A_453, %select_n3A_452 : i32
    %select_n3A_463 = arith.select %and3A_461, %add3A_462, %rem3A_453 : i32
    %mul3A_464 = arith.constant 1024 : i32
    %mul3A_465 = arith.muli %select_n3A_463, %mul3A_464 : i32
    %multiple_of3A_466 = tpu.assume_multiple %mul3A_465, 1024 : i32
    %add3A_467 = arith.constant 256 : i32
    %add3A_468 = arith.addi %add3A_467, %add3A : i32
    %lt3A_469 = arith.constant 400 : i32
    %lt3A_470 = arith.cmpi slt, %add3A_468, %lt3A_469 : i32
    %convert_element_type3A_471 = arith.extui %lt3A_470 : i1 to i32
    %cond3A_472 = arith.constant 0 : i32
    %cond3A_473 = arith.cmpi ne, %convert_element_type3A_471, %cond3A_472 : i32
    scf.if %cond3A_473 {
      %dma_start3A = tpu.memref_slice %arg5[%mul3A_447] : memref<208xi32, #tpu.memory_space<vmem>> -> memref<8xi32, #tpu.memory_space<vmem>>
      %dma_start3A_1574 = arith.constant 0 : i32
      %dma_start3A_1575 = tpu.memref_slice %arg2[%dma_start3A_1574, %multiple_of3A_466] : memref<1000x16384xf32, #tpu.memory_space<hbm>> -> memref<1000x1024xf32, #tpu.memory_space<hbm>>
      tpu.enqueue_indirect_dma source(%dma_start3A_1575 : memref<1000x1024xf32, #tpu.memory_space<hbm>>) target(%arg14 : memref<8x1024xf32, #tpu.memory_space<vmem>>) offsets(%dma_start3A : memref<8xi32, #tpu.memory_space<vmem>>) semaphore(%arg27 : memref<!tpu.dma_semaphore, #tpu.memory_space<semaphore_mem>>)
    } else {
    }
    %add3A_474 = arith.constant 288 : i32
    %add3A_475 = arith.addi %add3A_474, %add3A : i32
    %jit3A_476 = arith.constant 16 : i32
    %div3A_477 = arith.divsi %add3A_475, %jit3A_476 : i32
    %sign3A_478 = arith.constant 0 : i32
    %sign3A_479 = arith.cmpi sgt, %add3A_475, %sign3A_478 : i32
    %sign3A_480 = arith.extui %sign3A_479 : i1 to i32
    %sign3A_481 = arith.constant 0 : i32
    %sign3A_482 = arith.cmpi slt, %add3A_475, %sign3A_481 : i32
    %sign3A_483 = arith.extui %sign3A_482 : i1 to i32
    %sign3A_484 = arith.subi %sign3A_480, %sign3A_483 : i32
    %sign3A_485 = arith.constant 0 : i32
    %sign3A_486 = arith.cmpi sgt, %jit3A_476, %sign3A_485 : i32
    %sign3A_487 = arith.extui %sign3A_486 : i1 to i32
    %sign3A_488 = arith.constant 0 : i32
    %sign3A_489 = arith.cmpi slt, %jit3A_476, %sign3A_488 : i32
    %sign3A_490 = arith.extui %sign3A_489 : i1 to i32
    %sign3A_491 = arith.subi %sign3A_487, %sign3A_490 : i32
    %ne3A_492 = arith.cmpi ne, %sign3A_484, %sign3A_491 : i32
    %rem3A_493 = arith.remsi %add3A_475, %jit3A_476 : i32
    %ne3A_494 = arith.constant 0 : i32
    %ne3A_495 = arith.cmpi ne, %rem3A_493, %ne3A_494 : i32
    %and3A_496 = arith.andi %ne3A_492, %ne3A_495 : i1
    %sub3A_497 = arith.constant 1 : i32
    %sub3A_498 = arith.subi %div3A_477, %sub3A_497 : i32
    %select_n3A_499 = arith.select %and3A_496, %sub3A_498, %div3A_477 : i32
    %mul3A_500 = arith.constant 8 : i32
    %mul3A_501 = arith.muli %select_n3A_499, %mul3A_500 : i32
    %jit3A_502 = arith.constant 16 : i32
    %eq3A_503 = arith.constant 0 : i32
    %eq3A_504 = arith.cmpi eq, %jit3A_502, %eq3A_503 : i32
    %jit3A_505 = arith.constant 1 : i32
    %select_n3A_506 = arith.select %eq3A_504, %jit3A_505, %jit3A_502 : i32
    %rem3A_507 = arith.remsi %add3A_475, %select_n3A_506 : i32
    %ne3A_508 = arith.constant 0 : i32
    %ne3A_509 = arith.cmpi ne, %rem3A_507, %ne3A_508 : i32
    %lt3A_510 = arith.constant 0 : i32
    %lt3A_511 = arith.cmpi slt, %rem3A_507, %lt3A_510 : i32
    %lt3A_512 = arith.constant 0 : i32
    %lt3A_513 = arith.cmpi slt, %select_n3A_506, %lt3A_512 : i32
    %ne3A_514 = arith.xori %lt3A_511, %lt3A_513 : i1
    %and3A_515 = arith.andi %ne3A_514, %ne3A_509 : i1
    %add3A_516 = arith.addi %rem3A_507, %select_n3A_506 : i32
    %select_n3A_517 = arith.select %and3A_515, %add3A_516, %rem3A_507 : i32
    %mul3A_518 = arith.constant 1024 : i32
    %mul3A_519 = arith.muli %select_n3A_517, %mul3A_518 : i32
    %multiple_of3A_520 = tpu.assume_multiple %mul3A_519, 1024 : i32
    %add3A_521 = arith.constant 288 : i32
    %add3A_522 = arith.addi %add3A_521, %add3A : i32
    %lt3A_523 = arith.constant 400 : i32
    %lt3A_524 = arith.cmpi slt, %add3A_522, %lt3A_523 : i32
    %convert_element_type3A_525 = arith.extui %lt3A_524 : i1 to i32
    %cond3A_526 = arith.constant 0 : i32
    %cond3A_527 = arith.cmpi ne, %convert_element_type3A_525, %cond3A_526 : i32
    scf.if %cond3A_527 {
      %dma_start3A = tpu.memref_slice %arg5[%mul3A_501] : memref<208xi32, #tpu.memory_space<vmem>> -> memref<8xi32, #tpu.memory_space<vmem>>
      %dma_start3A_1574 = arith.constant 0 : i32
      %dma_start3A_1575 = tpu.memref_slice %arg2[%dma_start3A_1574, %multiple_of3A_520] : memref<1000x16384xf32, #tpu.memory_space<hbm>> -> memref<1000x1024xf32, #tpu.memory_space<hbm>>
      tpu.enqueue_indirect_dma source(%dma_start3A_1575 : memref<1000x1024xf32, #tpu.memory_space<hbm>>) target(%arg15 : memref<8x1024xf32, #tpu.memory_space<vmem>>) offsets(%dma_start3A : memref<8xi32, #tpu.memory_space<vmem>>) semaphore(%arg28 : memref<!tpu.dma_semaphore, #tpu.memory_space<semaphore_mem>>)
    } else {
    }
    %add3A_528 = arith.constant 320 : i32
    %add3A_529 = arith.addi %add3A_528, %add3A : i32
    %jit3A_530 = arith.constant 16 : i32
    %div3A_531 = arith.divsi %add3A_529, %jit3A_530 : i32
    %sign3A_532 = arith.constant 0 : i32
    %sign3A_533 = arith.cmpi sgt, %add3A_529, %sign3A_532 : i32
    %sign3A_534 = arith.extui %sign3A_533 : i1 to i32
    %sign3A_535 = arith.constant 0 : i32
    %sign3A_536 = arith.cmpi slt, %add3A_529, %sign3A_535 : i32
    %sign3A_537 = arith.extui %sign3A_536 : i1 to i32
    %sign3A_538 = arith.subi %sign3A_534, %sign3A_537 : i32
    %sign3A_539 = arith.constant 0 : i32
    %sign3A_540 = arith.cmpi sgt, %jit3A_530, %sign3A_539 : i32
    %sign3A_541 = arith.extui %sign3A_540 : i1 to i32
    %sign3A_542 = arith.constant 0 : i32
    %sign3A_543 = arith.cmpi slt, %jit3A_530, %sign3A_542 : i32
    %sign3A_544 = arith.extui %sign3A_543 : i1 to i32
    %sign3A_545 = arith.subi %sign3A_541, %sign3A_544 : i32
    %ne3A_546 = arith.cmpi ne, %sign3A_538, %sign3A_545 : i32
    %rem3A_547 = arith.remsi %add3A_529, %jit3A_530 : i32
    %ne3A_548 = arith.constant 0 : i32
    %ne3A_549 = arith.cmpi ne, %rem3A_547, %ne3A_548 : i32
    %and3A_550 = arith.andi %ne3A_546, %ne3A_549 : i1
    %sub3A_551 = arith.constant 1 : i32
    %sub3A_552 = arith.subi %div3A_531, %sub3A_551 : i32
    %select_n3A_553 = arith.select %and3A_550, %sub3A_552, %div3A_531 : i32
    %mul3A_554 = arith.constant 8 : i32
    %mul3A_555 = arith.muli %select_n3A_553, %mul3A_554 : i32
    %jit3A_556 = arith.constant 16 : i32
    %eq3A_557 = arith.constant 0 : i32
    %eq3A_558 = arith.cmpi eq, %jit3A_556, %eq3A_557 : i32
    %jit3A_559 = arith.constant 1 : i32
    %select_n3A_560 = arith.select %eq3A_558, %jit3A_559, %jit3A_556 : i32
    %rem3A_561 = arith.remsi %add3A_529, %select_n3A_560 : i32
    %ne3A_562 = arith.constant 0 : i32
    %ne3A_563 = arith.cmpi ne, %rem3A_561, %ne3A_562 : i32
    %lt3A_564 = arith.constant 0 : i32
    %lt3A_565 = arith.cmpi slt, %rem3A_561, %lt3A_564 : i32
    %lt3A_566 = arith.constant 0 : i32
    %lt3A_567 = arith.cmpi slt, %select_n3A_560, %lt3A_566 : i32
    %ne3A_568 = arith.xori %lt3A_565, %lt3A_567 : i1
    %and3A_569 = arith.andi %ne3A_568, %ne3A_563 : i1
    %add3A_570 = arith.addi %rem3A_561, %select_n3A_560 : i32
    %select_n3A_571 = arith.select %and3A_569, %add3A_570, %rem3A_561 : i32
    %mul3A_572 = arith.constant 1024 : i32
    %mul3A_573 = arith.muli %select_n3A_571, %mul3A_572 : i32
    %multiple_of3A_574 = tpu.assume_multiple %mul3A_573, 1024 : i32
    %add3A_575 = arith.constant 320 : i32
    %add3A_576 = arith.addi %add3A_575, %add3A : i32
    %lt3A_577 = arith.constant 400 : i32
    %lt3A_578 = arith.cmpi slt, %add3A_576, %lt3A_577 : i32
    %convert_element_type3A_579 = arith.extui %lt3A_578 : i1 to i32
    %cond3A_580 = arith.constant 0 : i32
    %cond3A_581 = arith.cmpi ne, %convert_element_type3A_579, %cond3A_580 : i32
    scf.if %cond3A_581 {
      %dma_start3A = tpu.memref_slice %arg5[%mul3A_555] : memref<208xi32, #tpu.memory_space<vmem>> -> memref<8xi32, #tpu.memory_space<vmem>>
      %dma_start3A_1574 = arith.constant 0 : i32
      %dma_start3A_1575 = tpu.memref_slice %arg2[%dma_start3A_1574, %multiple_of3A_574] : memref<1000x16384xf32, #tpu.memory_space<hbm>> -> memref<1000x1024xf32, #tpu.memory_space<hbm>>
      tpu.enqueue_indirect_dma source(%dma_start3A_1575 : memref<1000x1024xf32, #tpu.memory_space<hbm>>) target(%arg16 : memref<8x1024xf32, #tpu.memory_space<vmem>>) offsets(%dma_start3A : memref<8xi32, #tpu.memory_space<vmem>>) semaphore(%arg29 : memref<!tpu.dma_semaphore, #tpu.memory_space<semaphore_mem>>)
    } else {
    }
    %add3A_582 = arith.constant 352 : i32
    %add3A_583 = arith.addi %add3A_582, %add3A : i32
    %jit3A_584 = arith.constant 16 : i32
    %div3A_585 = arith.divsi %add3A_583, %jit3A_584 : i32
    %sign3A_586 = arith.constant 0 : i32
    %sign3A_587 = arith.cmpi sgt, %add3A_583, %sign3A_586 : i32
    %sign3A_588 = arith.extui %sign3A_587 : i1 to i32
    %sign3A_589 = arith.constant 0 : i32
    %sign3A_590 = arith.cmpi slt, %add3A_583, %sign3A_589 : i32
    %sign3A_591 = arith.extui %sign3A_590 : i1 to i32
    %sign3A_592 = arith.subi %sign3A_588, %sign3A_591 : i32
    %sign3A_593 = arith.constant 0 : i32
    %sign3A_594 = arith.cmpi sgt, %jit3A_584, %sign3A_593 : i32
    %sign3A_595 = arith.extui %sign3A_594 : i1 to i32
    %sign3A_596 = arith.constant 0 : i32
    %sign3A_597 = arith.cmpi slt, %jit3A_584, %sign3A_596 : i32
    %sign3A_598 = arith.extui %sign3A_597 : i1 to i32
    %sign3A_599 = arith.subi %sign3A_595, %sign3A_598 : i32
    %ne3A_600 = arith.cmpi ne, %sign3A_592, %sign3A_599 : i32
    %rem3A_601 = arith.remsi %add3A_583, %jit3A_584 : i32
    %ne3A_602 = arith.constant 0 : i32
    %ne3A_603 = arith.cmpi ne, %rem3A_601, %ne3A_602 : i32
    %and3A_604 = arith.andi %ne3A_600, %ne3A_603 : i1
    %sub3A_605 = arith.constant 1 : i32
    %sub3A_606 = arith.subi %div3A_585, %sub3A_605 : i32
    %select_n3A_607 = arith.select %and3A_604, %sub3A_606, %div3A_585 : i32
    %mul3A_608 = arith.constant 8 : i32
    %mul3A_609 = arith.muli %select_n3A_607, %mul3A_608 : i32
    %jit3A_610 = arith.constant 16 : i32
    %eq3A_611 = arith.constant 0 : i32
    %eq3A_612 = arith.cmpi eq, %jit3A_610, %eq3A_611 : i32
    %jit3A_613 = arith.constant 1 : i32
    %select_n3A_614 = arith.select %eq3A_612, %jit3A_613, %jit3A_610 : i32
    %rem3A_615 = arith.remsi %add3A_583, %select_n3A_614 : i32
    %ne3A_616 = arith.constant 0 : i32
    %ne3A_617 = arith.cmpi ne, %rem3A_615, %ne3A_616 : i32
    %lt3A_618 = arith.constant 0 : i32
    %lt3A_619 = arith.cmpi slt, %rem3A_615, %lt3A_618 : i32
    %lt3A_620 = arith.constant 0 : i32
    %lt3A_621 = arith.cmpi slt, %select_n3A_614, %lt3A_620 : i32
    %ne3A_622 = arith.xori %lt3A_619, %lt3A_621 : i1
    %and3A_623 = arith.andi %ne3A_622, %ne3A_617 : i1
    %add3A_624 = arith.addi %rem3A_615, %select_n3A_614 : i32
    %select_n3A_625 = arith.select %and3A_623, %add3A_624, %rem3A_615 : i32
    %mul3A_626 = arith.constant 1024 : i32
    %mul3A_627 = arith.muli %select_n3A_625, %mul3A_626 : i32
    %multiple_of3A_628 = tpu.assume_multiple %mul3A_627, 1024 : i32
    %add3A_629 = arith.constant 352 : i32
    %add3A_630 = arith.addi %add3A_629, %add3A : i32
    %lt3A_631 = arith.constant 400 : i32
    %lt3A_632 = arith.cmpi slt, %add3A_630, %lt3A_631 : i32
    %convert_element_type3A_633 = arith.extui %lt3A_632 : i1 to i32
    %cond3A_634 = arith.constant 0 : i32
    %cond3A_635 = arith.cmpi ne, %convert_element_type3A_633, %cond3A_634 : i32
    scf.if %cond3A_635 {
      %dma_start3A = tpu.memref_slice %arg5[%mul3A_609] : memref<208xi32, #tpu.memory_space<vmem>> -> memref<8xi32, #tpu.memory_space<vmem>>
      %dma_start3A_1574 = arith.constant 0 : i32
      %dma_start3A_1575 = tpu.memref_slice %arg2[%dma_start3A_1574, %multiple_of3A_628] : memref<1000x16384xf32, #tpu.memory_space<hbm>> -> memref<1000x1024xf32, #tpu.memory_space<hbm>>
      tpu.enqueue_indirect_dma source(%dma_start3A_1575 : memref<1000x1024xf32, #tpu.memory_space<hbm>>) target(%arg17 : memref<8x1024xf32, #tpu.memory_space<vmem>>) offsets(%dma_start3A : memref<8xi32, #tpu.memory_space<vmem>>) semaphore(%arg30 : memref<!tpu.dma_semaphore, #tpu.memory_space<semaphore_mem>>)
    } else {
    }
    %add3A_636 = arith.constant 384 : i32
    %add3A_637 = arith.addi %add3A_636, %add3A : i32
    %jit3A_638 = arith.constant 16 : i32
    %div3A_639 = arith.divsi %add3A_637, %jit3A_638 : i32
    %sign3A_640 = arith.constant 0 : i32
    %sign3A_641 = arith.cmpi sgt, %add3A_637, %sign3A_640 : i32
    %sign3A_642 = arith.extui %sign3A_641 : i1 to i32
    %sign3A_643 = arith.constant 0 : i32
    %sign3A_644 = arith.cmpi slt, %add3A_637, %sign3A_643 : i32
    %sign3A_645 = arith.extui %sign3A_644 : i1 to i32
    %sign3A_646 = arith.subi %sign3A_642, %sign3A_645 : i32
    %sign3A_647 = arith.constant 0 : i32
    %sign3A_648 = arith.cmpi sgt, %jit3A_638, %sign3A_647 : i32
    %sign3A_649 = arith.extui %sign3A_648 : i1 to i32
    %sign3A_650 = arith.constant 0 : i32
    %sign3A_651 = arith.cmpi slt, %jit3A_638, %sign3A_650 : i32
    %sign3A_652 = arith.extui %sign3A_651 : i1 to i32
    %sign3A_653 = arith.subi %sign3A_649, %sign3A_652 : i32
    %ne3A_654 = arith.cmpi ne, %sign3A_646, %sign3A_653 : i32
    %rem3A_655 = arith.remsi %add3A_637, %jit3A_638 : i32
    %ne3A_656 = arith.constant 0 : i32
    %ne3A_657 = arith.cmpi ne, %rem3A_655, %ne3A_656 : i32
    %and3A_658 = arith.andi %ne3A_654, %ne3A_657 : i1
    %sub3A_659 = arith.constant 1 : i32
    %sub3A_660 = arith.subi %div3A_639, %sub3A_659 : i32
    %select_n3A_661 = arith.select %and3A_658, %sub3A_660, %div3A_639 : i32
    %mul3A_662 = arith.constant 8 : i32
    %mul3A_663 = arith.muli %select_n3A_661, %mul3A_662 : i32
    %jit3A_664 = arith.constant 16 : i32
    %eq3A_665 = arith.constant 0 : i32
    %eq3A_666 = arith.cmpi eq, %jit3A_664, %eq3A_665 : i32
    %jit3A_667 = arith.constant 1 : i32
    %select_n3A_668 = arith.select %eq3A_666, %jit3A_667, %jit3A_664 : i32
    %rem3A_669 = arith.remsi %add3A_637, %select_n3A_668 : i32
    %ne3A_670 = arith.constant 0 : i32
    %ne3A_671 = arith.cmpi ne, %rem3A_669, %ne3A_670 : i32
    %lt3A_672 = arith.constant 0 : i32
    %lt3A_673 = arith.cmpi slt, %rem3A_669, %lt3A_672 : i32
    %lt3A_674 = arith.constant 0 : i32
    %lt3A_675 = arith.cmpi slt, %select_n3A_668, %lt3A_674 : i32
    %ne3A_676 = arith.xori %lt3A_673, %lt3A_675 : i1
    %and3A_677 = arith.andi %ne3A_676, %ne3A_671 : i1
    %add3A_678 = arith.addi %rem3A_669, %select_n3A_668 : i32
    %select_n3A_679 = arith.select %and3A_677, %add3A_678, %rem3A_669 : i32
    %mul3A_680 = arith.constant 1024 : i32
    %mul3A_681 = arith.muli %select_n3A_679, %mul3A_680 : i32
    %multiple_of3A_682 = tpu.assume_multiple %mul3A_681, 1024 : i32
    %add3A_683 = arith.constant 384 : i32
    %add3A_684 = arith.addi %add3A_683, %add3A : i32
    %lt3A_685 = arith.constant 400 : i32
    %lt3A_686 = arith.cmpi slt, %add3A_684, %lt3A_685 : i32
    %convert_element_type3A_687 = arith.extui %lt3A_686 : i1 to i32
    %cond3A_688 = arith.constant 0 : i32
    %cond3A_689 = arith.cmpi ne, %convert_element_type3A_687, %cond3A_688 : i32
    scf.if %cond3A_689 {
      %dma_start3A = tpu.memref_slice %arg5[%mul3A_663] : memref<208xi32, #tpu.memory_space<vmem>> -> memref<8xi32, #tpu.memory_space<vmem>>
      %dma_start3A_1574 = arith.constant 0 : i32
      %dma_start3A_1575 = tpu.memref_slice %arg2[%dma_start3A_1574, %multiple_of3A_682] : memref<1000x16384xf32, #tpu.memory_space<hbm>> -> memref<1000x1024xf32, #tpu.memory_space<hbm>>
      tpu.enqueue_indirect_dma source(%dma_start3A_1575 : memref<1000x1024xf32, #tpu.memory_space<hbm>>) target(%arg18 : memref<8x1024xf32, #tpu.memory_space<vmem>>) offsets(%dma_start3A : memref<8xi32, #tpu.memory_space<vmem>>) semaphore(%arg31 : memref<!tpu.dma_semaphore, #tpu.memory_space<semaphore_mem>>)
    } else {
    }
    %add3A_690 = arith.constant 0 : i32
    %add3A_691 = arith.addi %add3A_690, %add3A : i32
    %lt3A_692 = arith.constant 400 : i32
    %lt3A_693 = arith.cmpi slt, %add3A_691, %lt3A_692 : i32
    %convert_element_type3A_694 = arith.extui %lt3A_693 : i1 to i32
    %cond3A_695 = arith.constant 0 : i32
    %cond3A_696 = arith.cmpi ne, %convert_element_type3A_694, %cond3A_695 : i32
    scf.if %cond3A_696 {
      %dma_wait3A = arith.constant 0 : i32
      %dma_wait3A_1574 = arith.constant 0 : i32
      %dma_wait3A_1575 = tpu.memref_slice %arg2[%dma_wait3A, %dma_wait3A_1574] : memref<1000x16384xf32, #tpu.memory_space<hbm>> -> memref<8x1024xf32, #tpu.memory_space<hbm>>
      %dma_wait3A_1576 = arith.constant 0 : i32
      %dma_wait3A_1577 = arith.constant 0 : i32
      %dma_wait3A_1578 = tpu.memref_slice %arg2[%dma_wait3A_1576, %dma_wait3A_1577] : memref<1000x16384xf32, #tpu.memory_space<hbm>> -> memref<8x1024xf32, #tpu.memory_space<hbm>>
      tpu.wait_dma2 semaphore(%arg19 : memref<!tpu.dma_semaphore, #tpu.memory_space<semaphore_mem>>) src(%dma_wait3A_1578 : memref<8x1024xf32, #tpu.memory_space<hbm>>) dst(%arg6 : memref<8x1024xf32, #tpu.memory_space<vmem>>)
    } else {
    }
    %add3A_697 = arith.constant 0 : i32
    %add3A_698 = arith.addi %add3A_697, %add3A : i32
    %jit3A_699 = arith.constant 16 : i32
    %div3A_700 = arith.divsi %add3A_698, %jit3A_699 : i32
    %sign3A_701 = arith.constant 0 : i32
    %sign3A_702 = arith.cmpi sgt, %add3A_698, %sign3A_701 : i32
    %sign3A_703 = arith.extui %sign3A_702 : i1 to i32
    %sign3A_704 = arith.constant 0 : i32
    %sign3A_705 = arith.cmpi slt, %add3A_698, %sign3A_704 : i32
    %sign3A_706 = arith.extui %sign3A_705 : i1 to i32
    %sign3A_707 = arith.subi %sign3A_703, %sign3A_706 : i32
    %sign3A_708 = arith.constant 0 : i32
    %sign3A_709 = arith.cmpi sgt, %jit3A_699, %sign3A_708 : i32
    %sign3A_710 = arith.extui %sign3A_709 : i1 to i32
    %sign3A_711 = arith.constant 0 : i32
    %sign3A_712 = arith.cmpi slt, %jit3A_699, %sign3A_711 : i32
    %sign3A_713 = arith.extui %sign3A_712 : i1 to i32
    %sign3A_714 = arith.subi %sign3A_710, %sign3A_713 : i32
    %ne3A_715 = arith.cmpi ne, %sign3A_707, %sign3A_714 : i32
    %rem3A_716 = arith.remsi %add3A_698, %jit3A_699 : i32
    %ne3A_717 = arith.constant 0 : i32
    %ne3A_718 = arith.cmpi ne, %rem3A_716, %ne3A_717 : i32
    %and3A_719 = arith.andi %ne3A_715, %ne3A_718 : i1
    %sub3A_720 = arith.constant 1 : i32
    %sub3A_721 = arith.subi %div3A_700, %sub3A_720 : i32
    %select_n3A_722 = arith.select %and3A_719, %sub3A_721, %div3A_700 : i32
    %mul3A_723 = arith.constant 8 : i32
    %mul3A_724 = arith.muli %select_n3A_722, %mul3A_723 : i32
    %jit3A_725 = arith.constant 16 : i32
    %eq3A_726 = arith.constant 0 : i32
    %eq3A_727 = arith.cmpi eq, %jit3A_725, %eq3A_726 : i32
    %jit3A_728 = arith.constant 1 : i32
    %select_n3A_729 = arith.select %eq3A_727, %jit3A_728, %jit3A_725 : i32
    %rem3A_730 = arith.remsi %add3A_698, %select_n3A_729 : i32
    %ne3A_731 = arith.constant 0 : i32
    %ne3A_732 = arith.cmpi ne, %rem3A_730, %ne3A_731 : i32
    %lt3A_733 = arith.constant 0 : i32
    %lt3A_734 = arith.cmpi slt, %rem3A_730, %lt3A_733 : i32
    %lt3A_735 = arith.constant 0 : i32
    %lt3A_736 = arith.cmpi slt, %select_n3A_729, %lt3A_735 : i32
    %ne3A_737 = arith.xori %lt3A_734, %lt3A_736 : i1
    %and3A_738 = arith.andi %ne3A_737, %ne3A_732 : i1
    %add3A_739 = arith.addi %rem3A_730, %select_n3A_729 : i32
    %select_n3A_740 = arith.select %and3A_738, %add3A_739, %rem3A_730 : i32
    %mul3A_741 = arith.constant 1024 : i32
    %mul3A_742 = arith.muli %select_n3A_740, %mul3A_741 : i32
    %multiple_of3A_743 = tpu.assume_multiple %mul3A_742, 1024 : i32
    %add3A_744 = arith.constant 0 : i32
    %add3A_745 = arith.addi %add3A_744, %add3A : i32
    %lt3A_746 = arith.constant 400 : i32
    %lt3A_747 = arith.cmpi slt, %add3A_745, %lt3A_746 : i32
    %convert_element_type3A_748 = arith.extui %lt3A_747 : i1 to i32
    %cond3A_749 = arith.constant 0 : i32
    %cond3A_750 = arith.cmpi ne, %convert_element_type3A_748, %cond3A_749 : i32
    scf.if %cond3A_750 {
      %dma_start3A = tpu.memref_slice %arg4[%mul3A_724, %multiple_of3A_743] : memref<200x16384xf32, #tpu.memory_space<hbm>> -> memref<8x1024xf32, #tpu.memory_space<hbm>>
      %dma_start3A_1574 = tpu.memref_slice %arg4[%mul3A_724, %multiple_of3A_743] : memref<200x16384xf32, #tpu.memory_space<hbm>> -> memref<8x1024xf32, #tpu.memory_space<hbm>>
      tpu.enqueue_dma source(%arg6 : memref<8x1024xf32, #tpu.memory_space<vmem>>) target(%dma_start3A_1574 : memref<8x1024xf32, #tpu.memory_space<hbm>>) target_semaphore(%arg32 : memref<!tpu.dma_semaphore, #tpu.memory_space<semaphore_mem>>)
    } else {
    }
    %add3A_751 = arith.constant 32 : i32
    %add3A_752 = arith.addi %add3A_751, %add3A : i32
    %lt3A_753 = arith.constant 400 : i32
    %lt3A_754 = arith.cmpi slt, %add3A_752, %lt3A_753 : i32
    %convert_element_type3A_755 = arith.extui %lt3A_754 : i1 to i32
    %cond3A_756 = arith.constant 0 : i32
    %cond3A_757 = arith.cmpi ne, %convert_element_type3A_755, %cond3A_756 : i32
    scf.if %cond3A_757 {
      %dma_wait3A = arith.constant 0 : i32
      %dma_wait3A_1574 = arith.constant 0 : i32
      %dma_wait3A_1575 = tpu.memref_slice %arg2[%dma_wait3A, %dma_wait3A_1574] : memref<1000x16384xf32, #tpu.memory_space<hbm>> -> memref<8x1024xf32, #tpu.memory_space<hbm>>
      %dma_wait3A_1576 = arith.constant 0 : i32
      %dma_wait3A_1577 = arith.constant 0 : i32
      %dma_wait3A_1578 = tpu.memref_slice %arg2[%dma_wait3A_1576, %dma_wait3A_1577] : memref<1000x16384xf32, #tpu.memory_space<hbm>> -> memref<8x1024xf32, #tpu.memory_space<hbm>>
      tpu.wait_dma2 semaphore(%arg20 : memref<!tpu.dma_semaphore, #tpu.memory_space<semaphore_mem>>) src(%dma_wait3A_1578 : memref<8x1024xf32, #tpu.memory_space<hbm>>) dst(%arg7 : memref<8x1024xf32, #tpu.memory_space<vmem>>)
    } else {
    }
    %add3A_758 = arith.constant 32 : i32
    %add3A_759 = arith.addi %add3A_758, %add3A : i32
    %jit3A_760 = arith.constant 16 : i32
    %div3A_761 = arith.divsi %add3A_759, %jit3A_760 : i32
    %sign3A_762 = arith.constant 0 : i32
    %sign3A_763 = arith.cmpi sgt, %add3A_759, %sign3A_762 : i32
    %sign3A_764 = arith.extui %sign3A_763 : i1 to i32
    %sign3A_765 = arith.constant 0 : i32
    %sign3A_766 = arith.cmpi slt, %add3A_759, %sign3A_765 : i32
    %sign3A_767 = arith.extui %sign3A_766 : i1 to i32
    %sign3A_768 = arith.subi %sign3A_764, %sign3A_767 : i32
    %sign3A_769 = arith.constant 0 : i32
    %sign3A_770 = arith.cmpi sgt, %jit3A_760, %sign3A_769 : i32
    %sign3A_771 = arith.extui %sign3A_770 : i1 to i32
    %sign3A_772 = arith.constant 0 : i32
    %sign3A_773 = arith.cmpi slt, %jit3A_760, %sign3A_772 : i32
    %sign3A_774 = arith.extui %sign3A_773 : i1 to i32
    %sign3A_775 = arith.subi %sign3A_771, %sign3A_774 : i32
    %ne3A_776 = arith.cmpi ne, %sign3A_768, %sign3A_775 : i32
    %rem3A_777 = arith.remsi %add3A_759, %jit3A_760 : i32
    %ne3A_778 = arith.constant 0 : i32
    %ne3A_779 = arith.cmpi ne, %rem3A_777, %ne3A_778 : i32
    %and3A_780 = arith.andi %ne3A_776, %ne3A_779 : i1
    %sub3A_781 = arith.constant 1 : i32
    %sub3A_782 = arith.subi %div3A_761, %sub3A_781 : i32
    %select_n3A_783 = arith.select %and3A_780, %sub3A_782, %div3A_761 : i32
    %mul3A_784 = arith.constant 8 : i32
    %mul3A_785 = arith.muli %select_n3A_783, %mul3A_784 : i32
    %jit3A_786 = arith.constant 16 : i32
    %eq3A_787 = arith.constant 0 : i32
    %eq3A_788 = arith.cmpi eq, %jit3A_786, %eq3A_787 : i32
    %jit3A_789 = arith.constant 1 : i32
    %select_n3A_790 = arith.select %eq3A_788, %jit3A_789, %jit3A_786 : i32
    %rem3A_791 = arith.remsi %add3A_759, %select_n3A_790 : i32
    %ne3A_792 = arith.constant 0 : i32
    %ne3A_793 = arith.cmpi ne, %rem3A_791, %ne3A_792 : i32
    %lt3A_794 = arith.constant 0 : i32
    %lt3A_795 = arith.cmpi slt, %rem3A_791, %lt3A_794 : i32
    %lt3A_796 = arith.constant 0 : i32
    %lt3A_797 = arith.cmpi slt, %select_n3A_790, %lt3A_796 : i32
    %ne3A_798 = arith.xori %lt3A_795, %lt3A_797 : i1
    %and3A_799 = arith.andi %ne3A_798, %ne3A_793 : i1
    %add3A_800 = arith.addi %rem3A_791, %select_n3A_790 : i32
    %select_n3A_801 = arith.select %and3A_799, %add3A_800, %rem3A_791 : i32
    %mul3A_802 = arith.constant 1024 : i32
    %mul3A_803 = arith.muli %select_n3A_801, %mul3A_802 : i32
    %multiple_of3A_804 = tpu.assume_multiple %mul3A_803, 1024 : i32
    %add3A_805 = arith.constant 32 : i32
    %add3A_806 = arith.addi %add3A_805, %add3A : i32
    %lt3A_807 = arith.constant 400 : i32
    %lt3A_808 = arith.cmpi slt, %add3A_806, %lt3A_807 : i32
    %convert_element_type3A_809 = arith.extui %lt3A_808 : i1 to i32
    %cond3A_810 = arith.constant 0 : i32
    %cond3A_811 = arith.cmpi ne, %convert_element_type3A_809, %cond3A_810 : i32
    scf.if %cond3A_811 {
      %dma_start3A = tpu.memref_slice %arg4[%mul3A_785, %multiple_of3A_804] : memref<200x16384xf32, #tpu.memory_space<hbm>> -> memref<8x1024xf32, #tpu.memory_space<hbm>>
      %dma_start3A_1574 = tpu.memref_slice %arg4[%mul3A_785, %multiple_of3A_804] : memref<200x16384xf32, #tpu.memory_space<hbm>> -> memref<8x1024xf32, #tpu.memory_space<hbm>>
      tpu.enqueue_dma source(%arg7 : memref<8x1024xf32, #tpu.memory_space<vmem>>) target(%dma_start3A_1574 : memref<8x1024xf32, #tpu.memory_space<hbm>>) target_semaphore(%arg33 : memref<!tpu.dma_semaphore, #tpu.memory_space<semaphore_mem>>)
    } else {
    }
    %add3A_812 = arith.constant 64 : i32
    %add3A_813 = arith.addi %add3A_812, %add3A : i32
    %lt3A_814 = arith.constant 400 : i32
    %lt3A_815 = arith.cmpi slt, %add3A_813, %lt3A_814 : i32
    %convert_element_type3A_816 = arith.extui %lt3A_815 : i1 to i32
    %cond3A_817 = arith.constant 0 : i32
    %cond3A_818 = arith.cmpi ne, %convert_element_type3A_816, %cond3A_817 : i32
    scf.if %cond3A_818 {
      %dma_wait3A = arith.constant 0 : i32
      %dma_wait3A_1574 = arith.constant 0 : i32
      %dma_wait3A_1575 = tpu.memref_slice %arg2[%dma_wait3A, %dma_wait3A_1574] : memref<1000x16384xf32, #tpu.memory_space<hbm>> -> memref<8x1024xf32, #tpu.memory_space<hbm>>
      %dma_wait3A_1576 = arith.constant 0 : i32
      %dma_wait3A_1577 = arith.constant 0 : i32
      %dma_wait3A_1578 = tpu.memref_slice %arg2[%dma_wait3A_1576, %dma_wait3A_1577] : memref<1000x16384xf32, #tpu.memory_space<hbm>> -> memref<8x1024xf32, #tpu.memory_space<hbm>>
      tpu.wait_dma2 semaphore(%arg21 : memref<!tpu.dma_semaphore, #tpu.memory_space<semaphore_mem>>) src(%dma_wait3A_1578 : memref<8x1024xf32, #tpu.memory_space<hbm>>) dst(%arg8 : memref<8x1024xf32, #tpu.memory_space<vmem>>)
    } else {
    }
    %add3A_819 = arith.constant 64 : i32
    %add3A_820 = arith.addi %add3A_819, %add3A : i32
    %jit3A_821 = arith.constant 16 : i32
    %div3A_822 = arith.divsi %add3A_820, %jit3A_821 : i32
    %sign3A_823 = arith.constant 0 : i32
    %sign3A_824 = arith.cmpi sgt, %add3A_820, %sign3A_823 : i32
    %sign3A_825 = arith.extui %sign3A_824 : i1 to i32
    %sign3A_826 = arith.constant 0 : i32
    %sign3A_827 = arith.cmpi slt, %add3A_820, %sign3A_826 : i32
    %sign3A_828 = arith.extui %sign3A_827 : i1 to i32
    %sign3A_829 = arith.subi %sign3A_825, %sign3A_828 : i32
    %sign3A_830 = arith.constant 0 : i32
    %sign3A_831 = arith.cmpi sgt, %jit3A_821, %sign3A_830 : i32
    %sign3A_832 = arith.extui %sign3A_831 : i1 to i32
    %sign3A_833 = arith.constant 0 : i32
    %sign3A_834 = arith.cmpi slt, %jit3A_821, %sign3A_833 : i32
    %sign3A_835 = arith.extui %sign3A_834 : i1 to i32
    %sign3A_836 = arith.subi %sign3A_832, %sign3A_835 : i32
    %ne3A_837 = arith.cmpi ne, %sign3A_829, %sign3A_836 : i32
    %rem3A_838 = arith.remsi %add3A_820, %jit3A_821 : i32
    %ne3A_839 = arith.constant 0 : i32
    %ne3A_840 = arith.cmpi ne, %rem3A_838, %ne3A_839 : i32
    %and3A_841 = arith.andi %ne3A_837, %ne3A_840 : i1
    %sub3A_842 = arith.constant 1 : i32
    %sub3A_843 = arith.subi %div3A_822, %sub3A_842 : i32
    %select_n3A_844 = arith.select %and3A_841, %sub3A_843, %div3A_822 : i32
    %mul3A_845 = arith.constant 8 : i32
    %mul3A_846 = arith.muli %select_n3A_844, %mul3A_845 : i32
    %jit3A_847 = arith.constant 16 : i32
    %eq3A_848 = arith.constant 0 : i32
    %eq3A_849 = arith.cmpi eq, %jit3A_847, %eq3A_848 : i32
    %jit3A_850 = arith.constant 1 : i32
    %select_n3A_851 = arith.select %eq3A_849, %jit3A_850, %jit3A_847 : i32
    %rem3A_852 = arith.remsi %add3A_820, %select_n3A_851 : i32
    %ne3A_853 = arith.constant 0 : i32
    %ne3A_854 = arith.cmpi ne, %rem3A_852, %ne3A_853 : i32
    %lt3A_855 = arith.constant 0 : i32
    %lt3A_856 = arith.cmpi slt, %rem3A_852, %lt3A_855 : i32
    %lt3A_857 = arith.constant 0 : i32
    %lt3A_858 = arith.cmpi slt, %select_n3A_851, %lt3A_857 : i32
    %ne3A_859 = arith.xori %lt3A_856, %lt3A_858 : i1
    %and3A_860 = arith.andi %ne3A_859, %ne3A_854 : i1
    %add3A_861 = arith.addi %rem3A_852, %select_n3A_851 : i32
    %select_n3A_862 = arith.select %and3A_860, %add3A_861, %rem3A_852 : i32
    %mul3A_863 = arith.constant 1024 : i32
    %mul3A_864 = arith.muli %select_n3A_862, %mul3A_863 : i32
    %multiple_of3A_865 = tpu.assume_multiple %mul3A_864, 1024 : i32
    %add3A_866 = arith.constant 64 : i32
    %add3A_867 = arith.addi %add3A_866, %add3A : i32
    %lt3A_868 = arith.constant 400 : i32
    %lt3A_869 = arith.cmpi slt, %add3A_867, %lt3A_868 : i32
    %convert_element_type3A_870 = arith.extui %lt3A_869 : i1 to i32
    %cond3A_871 = arith.constant 0 : i32
    %cond3A_872 = arith.cmpi ne, %convert_element_type3A_870, %cond3A_871 : i32
    scf.if %cond3A_872 {
      %dma_start3A = tpu.memref_slice %arg4[%mul3A_846, %multiple_of3A_865] : memref<200x16384xf32, #tpu.memory_space<hbm>> -> memref<8x1024xf32, #tpu.memory_space<hbm>>
      %dma_start3A_1574 = tpu.memref_slice %arg4[%mul3A_846, %multiple_of3A_865] : memref<200x16384xf32, #tpu.memory_space<hbm>> -> memref<8x1024xf32, #tpu.memory_space<hbm>>
      tpu.enqueue_dma source(%arg8 : memref<8x1024xf32, #tpu.memory_space<vmem>>) target(%dma_start3A_1574 : memref<8x1024xf32, #tpu.memory_space<hbm>>) target_semaphore(%arg34 : memref<!tpu.dma_semaphore, #tpu.memory_space<semaphore_mem>>)
    } else {
    }
    %add3A_873 = arith.constant 96 : i32
    %add3A_874 = arith.addi %add3A_873, %add3A : i32
    %lt3A_875 = arith.constant 400 : i32
    %lt3A_876 = arith.cmpi slt, %add3A_874, %lt3A_875 : i32
    %convert_element_type3A_877 = arith.extui %lt3A_876 : i1 to i32
    %cond3A_878 = arith.constant 0 : i32
    %cond3A_879 = arith.cmpi ne, %convert_element_type3A_877, %cond3A_878 : i32
    scf.if %cond3A_879 {
      %dma_wait3A = arith.constant 0 : i32
      %dma_wait3A_1574 = arith.constant 0 : i32
      %dma_wait3A_1575 = tpu.memref_slice %arg2[%dma_wait3A, %dma_wait3A_1574] : memref<1000x16384xf32, #tpu.memory_space<hbm>> -> memref<8x1024xf32, #tpu.memory_space<hbm>>
      %dma_wait3A_1576 = arith.constant 0 : i32
      %dma_wait3A_1577 = arith.constant 0 : i32
      %dma_wait3A_1578 = tpu.memref_slice %arg2[%dma_wait3A_1576, %dma_wait3A_1577] : memref<1000x16384xf32, #tpu.memory_space<hbm>> -> memref<8x1024xf32, #tpu.memory_space<hbm>>
      tpu.wait_dma2 semaphore(%arg22 : memref<!tpu.dma_semaphore, #tpu.memory_space<semaphore_mem>>) src(%dma_wait3A_1578 : memref<8x1024xf32, #tpu.memory_space<hbm>>) dst(%arg9 : memref<8x1024xf32, #tpu.memory_space<vmem>>)
    } else {
    }
    %add3A_880 = arith.constant 96 : i32
    %add3A_881 = arith.addi %add3A_880, %add3A : i32
    %jit3A_882 = arith.constant 16 : i32
    %div3A_883 = arith.divsi %add3A_881, %jit3A_882 : i32
    %sign3A_884 = arith.constant 0 : i32
    %sign3A_885 = arith.cmpi sgt, %add3A_881, %sign3A_884 : i32
    %sign3A_886 = arith.extui %sign3A_885 : i1 to i32
    %sign3A_887 = arith.constant 0 : i32
    %sign3A_888 = arith.cmpi slt, %add3A_881, %sign3A_887 : i32
    %sign3A_889 = arith.extui %sign3A_888 : i1 to i32
    %sign3A_890 = arith.subi %sign3A_886, %sign3A_889 : i32
    %sign3A_891 = arith.constant 0 : i32
    %sign3A_892 = arith.cmpi sgt, %jit3A_882, %sign3A_891 : i32
    %sign3A_893 = arith.extui %sign3A_892 : i1 to i32
    %sign3A_894 = arith.constant 0 : i32
    %sign3A_895 = arith.cmpi slt, %jit3A_882, %sign3A_894 : i32
    %sign3A_896 = arith.extui %sign3A_895 : i1 to i32
    %sign3A_897 = arith.subi %sign3A_893, %sign3A_896 : i32
    %ne3A_898 = arith.cmpi ne, %sign3A_890, %sign3A_897 : i32
    %rem3A_899 = arith.remsi %add3A_881, %jit3A_882 : i32
    %ne3A_900 = arith.constant 0 : i32
    %ne3A_901 = arith.cmpi ne, %rem3A_899, %ne3A_900 : i32
    %and3A_902 = arith.andi %ne3A_898, %ne3A_901 : i1
    %sub3A_903 = arith.constant 1 : i32
    %sub3A_904 = arith.subi %div3A_883, %sub3A_903 : i32
    %select_n3A_905 = arith.select %and3A_902, %sub3A_904, %div3A_883 : i32
    %mul3A_906 = arith.constant 8 : i32
    %mul3A_907 = arith.muli %select_n3A_905, %mul3A_906 : i32
    %jit3A_908 = arith.constant 16 : i32
    %eq3A_909 = arith.constant 0 : i32
    %eq3A_910 = arith.cmpi eq, %jit3A_908, %eq3A_909 : i32
    %jit3A_911 = arith.constant 1 : i32
    %select_n3A_912 = arith.select %eq3A_910, %jit3A_911, %jit3A_908 : i32
    %rem3A_913 = arith.remsi %add3A_881, %select_n3A_912 : i32
    %ne3A_914 = arith.constant 0 : i32
    %ne3A_915 = arith.cmpi ne, %rem3A_913, %ne3A_914 : i32
    %lt3A_916 = arith.constant 0 : i32
    %lt3A_917 = arith.cmpi slt, %rem3A_913, %lt3A_916 : i32
    %lt3A_918 = arith.constant 0 : i32
    %lt3A_919 = arith.cmpi slt, %select_n3A_912, %lt3A_918 : i32
    %ne3A_920 = arith.xori %lt3A_917, %lt3A_919 : i1
    %and3A_921 = arith.andi %ne3A_920, %ne3A_915 : i1
    %add3A_922 = arith.addi %rem3A_913, %select_n3A_912 : i32
    %select_n3A_923 = arith.select %and3A_921, %add3A_922, %rem3A_913 : i32
    %mul3A_924 = arith.constant 1024 : i32
    %mul3A_925 = arith.muli %select_n3A_923, %mul3A_924 : i32
    %multiple_of3A_926 = tpu.assume_multiple %mul3A_925, 1024 : i32
    %add3A_927 = arith.constant 96 : i32
    %add3A_928 = arith.addi %add3A_927, %add3A : i32
    %lt3A_929 = arith.constant 400 : i32
    %lt3A_930 = arith.cmpi slt, %add3A_928, %lt3A_929 : i32
    %convert_element_type3A_931 = arith.extui %lt3A_930 : i1 to i32
    %cond3A_932 = arith.constant 0 : i32
    %cond3A_933 = arith.cmpi ne, %convert_element_type3A_931, %cond3A_932 : i32
    scf.if %cond3A_933 {
      %dma_start3A = tpu.memref_slice %arg4[%mul3A_907, %multiple_of3A_926] : memref<200x16384xf32, #tpu.memory_space<hbm>> -> memref<8x1024xf32, #tpu.memory_space<hbm>>
      %dma_start3A_1574 = tpu.memref_slice %arg4[%mul3A_907, %multiple_of3A_926] : memref<200x16384xf32, #tpu.memory_space<hbm>> -> memref<8x1024xf32, #tpu.memory_space<hbm>>
      tpu.enqueue_dma source(%arg9 : memref<8x1024xf32, #tpu.memory_space<vmem>>) target(%dma_start3A_1574 : memref<8x1024xf32, #tpu.memory_space<hbm>>) target_semaphore(%arg35 : memref<!tpu.dma_semaphore, #tpu.memory_space<semaphore_mem>>)
    } else {
    }
    %add3A_934 = arith.constant 128 : i32
    %add3A_935 = arith.addi %add3A_934, %add3A : i32
    %lt3A_936 = arith.constant 400 : i32
    %lt3A_937 = arith.cmpi slt, %add3A_935, %lt3A_936 : i32
    %convert_element_type3A_938 = arith.extui %lt3A_937 : i1 to i32
    %cond3A_939 = arith.constant 0 : i32
    %cond3A_940 = arith.cmpi ne, %convert_element_type3A_938, %cond3A_939 : i32
    scf.if %cond3A_940 {
      %dma_wait3A = arith.constant 0 : i32
      %dma_wait3A_1574 = arith.constant 0 : i32
      %dma_wait3A_1575 = tpu.memref_slice %arg2[%dma_wait3A, %dma_wait3A_1574] : memref<1000x16384xf32, #tpu.memory_space<hbm>> -> memref<8x1024xf32, #tpu.memory_space<hbm>>
      %dma_wait3A_1576 = arith.constant 0 : i32
      %dma_wait3A_1577 = arith.constant 0 : i32
      %dma_wait3A_1578 = tpu.memref_slice %arg2[%dma_wait3A_1576, %dma_wait3A_1577] : memref<1000x16384xf32, #tpu.memory_space<hbm>> -> memref<8x1024xf32, #tpu.memory_space<hbm>>
      tpu.wait_dma2 semaphore(%arg23 : memref<!tpu.dma_semaphore, #tpu.memory_space<semaphore_mem>>) src(%dma_wait3A_1578 : memref<8x1024xf32, #tpu.memory_space<hbm>>) dst(%arg10 : memref<8x1024xf32, #tpu.memory_space<vmem>>)
    } else {
    }
    %add3A_941 = arith.constant 128 : i32
    %add3A_942 = arith.addi %add3A_941, %add3A : i32
    %jit3A_943 = arith.constant 16 : i32
    %div3A_944 = arith.divsi %add3A_942, %jit3A_943 : i32
    %sign3A_945 = arith.constant 0 : i32
    %sign3A_946 = arith.cmpi sgt, %add3A_942, %sign3A_945 : i32
    %sign3A_947 = arith.extui %sign3A_946 : i1 to i32
    %sign3A_948 = arith.constant 0 : i32
    %sign3A_949 = arith.cmpi slt, %add3A_942, %sign3A_948 : i32
    %sign3A_950 = arith.extui %sign3A_949 : i1 to i32
    %sign3A_951 = arith.subi %sign3A_947, %sign3A_950 : i32
    %sign3A_952 = arith.constant 0 : i32
    %sign3A_953 = arith.cmpi sgt, %jit3A_943, %sign3A_952 : i32
    %sign3A_954 = arith.extui %sign3A_953 : i1 to i32
    %sign3A_955 = arith.constant 0 : i32
    %sign3A_956 = arith.cmpi slt, %jit3A_943, %sign3A_955 : i32
    %sign3A_957 = arith.extui %sign3A_956 : i1 to i32
    %sign3A_958 = arith.subi %sign3A_954, %sign3A_957 : i32
    %ne3A_959 = arith.cmpi ne, %sign3A_951, %sign3A_958 : i32
    %rem3A_960 = arith.remsi %add3A_942, %jit3A_943 : i32
    %ne3A_961 = arith.constant 0 : i32
    %ne3A_962 = arith.cmpi ne, %rem3A_960, %ne3A_961 : i32
    %and3A_963 = arith.andi %ne3A_959, %ne3A_962 : i1
    %sub3A_964 = arith.constant 1 : i32
    %sub3A_965 = arith.subi %div3A_944, %sub3A_964 : i32
    %select_n3A_966 = arith.select %and3A_963, %sub3A_965, %div3A_944 : i32
    %mul3A_967 = arith.constant 8 : i32
    %mul3A_968 = arith.muli %select_n3A_966, %mul3A_967 : i32
    %jit3A_969 = arith.constant 16 : i32
    %eq3A_970 = arith.constant 0 : i32
    %eq3A_971 = arith.cmpi eq, %jit3A_969, %eq3A_970 : i32
    %jit3A_972 = arith.constant 1 : i32
    %select_n3A_973 = arith.select %eq3A_971, %jit3A_972, %jit3A_969 : i32
    %rem3A_974 = arith.remsi %add3A_942, %select_n3A_973 : i32
    %ne3A_975 = arith.constant 0 : i32
    %ne3A_976 = arith.cmpi ne, %rem3A_974, %ne3A_975 : i32
    %lt3A_977 = arith.constant 0 : i32
    %lt3A_978 = arith.cmpi slt, %rem3A_974, %lt3A_977 : i32
    %lt3A_979 = arith.constant 0 : i32
    %lt3A_980 = arith.cmpi slt, %select_n3A_973, %lt3A_979 : i32
    %ne3A_981 = arith.xori %lt3A_978, %lt3A_980 : i1
    %and3A_982 = arith.andi %ne3A_981, %ne3A_976 : i1
    %add3A_983 = arith.addi %rem3A_974, %select_n3A_973 : i32
    %select_n3A_984 = arith.select %and3A_982, %add3A_983, %rem3A_974 : i32
    %mul3A_985 = arith.constant 1024 : i32
    %mul3A_986 = arith.muli %select_n3A_984, %mul3A_985 : i32
    %multiple_of3A_987 = tpu.assume_multiple %mul3A_986, 1024 : i32
    %add3A_988 = arith.constant 128 : i32
    %add3A_989 = arith.addi %add3A_988, %add3A : i32
    %lt3A_990 = arith.constant 400 : i32
    %lt3A_991 = arith.cmpi slt, %add3A_989, %lt3A_990 : i32
    %convert_element_type3A_992 = arith.extui %lt3A_991 : i1 to i32
    %cond3A_993 = arith.constant 0 : i32
    %cond3A_994 = arith.cmpi ne, %convert_element_type3A_992, %cond3A_993 : i32
    scf.if %cond3A_994 {
      %dma_start3A = tpu.memref_slice %arg4[%mul3A_968, %multiple_of3A_987] : memref<200x16384xf32, #tpu.memory_space<hbm>> -> memref<8x1024xf32, #tpu.memory_space<hbm>>
      %dma_start3A_1574 = tpu.memref_slice %arg4[%mul3A_968, %multiple_of3A_987] : memref<200x16384xf32, #tpu.memory_space<hbm>> -> memref<8x1024xf32, #tpu.memory_space<hbm>>
      tpu.enqueue_dma source(%arg10 : memref<8x1024xf32, #tpu.memory_space<vmem>>) target(%dma_start3A_1574 : memref<8x1024xf32, #tpu.memory_space<hbm>>) target_semaphore(%arg36 : memref<!tpu.dma_semaphore, #tpu.memory_space<semaphore_mem>>)
    } else {
    }
    %add3A_995 = arith.constant 160 : i32
    %add3A_996 = arith.addi %add3A_995, %add3A : i32
    %lt3A_997 = arith.constant 400 : i32
    %lt3A_998 = arith.cmpi slt, %add3A_996, %lt3A_997 : i32
    %convert_element_type3A_999 = arith.extui %lt3A_998 : i1 to i32
    %cond3A_1000 = arith.constant 0 : i32
    %cond3A_1001 = arith.cmpi ne, %convert_element_type3A_999, %cond3A_1000 : i32
    scf.if %cond3A_1001 {
      %dma_wait3A = arith.constant 0 : i32
      %dma_wait3A_1574 = arith.constant 0 : i32
      %dma_wait3A_1575 = tpu.memref_slice %arg2[%dma_wait3A, %dma_wait3A_1574] : memref<1000x16384xf32, #tpu.memory_space<hbm>> -> memref<8x1024xf32, #tpu.memory_space<hbm>>
      %dma_wait3A_1576 = arith.constant 0 : i32
      %dma_wait3A_1577 = arith.constant 0 : i32
      %dma_wait3A_1578 = tpu.memref_slice %arg2[%dma_wait3A_1576, %dma_wait3A_1577] : memref<1000x16384xf32, #tpu.memory_space<hbm>> -> memref<8x1024xf32, #tpu.memory_space<hbm>>
      tpu.wait_dma2 semaphore(%arg24 : memref<!tpu.dma_semaphore, #tpu.memory_space<semaphore_mem>>) src(%dma_wait3A_1578 : memref<8x1024xf32, #tpu.memory_space<hbm>>) dst(%arg11 : memref<8x1024xf32, #tpu.memory_space<vmem>>)
    } else {
    }
    %add3A_1002 = arith.constant 160 : i32
    %add3A_1003 = arith.addi %add3A_1002, %add3A : i32
    %jit3A_1004 = arith.constant 16 : i32
    %div3A_1005 = arith.divsi %add3A_1003, %jit3A_1004 : i32
    %sign3A_1006 = arith.constant 0 : i32
    %sign3A_1007 = arith.cmpi sgt, %add3A_1003, %sign3A_1006 : i32
    %sign3A_1008 = arith.extui %sign3A_1007 : i1 to i32
    %sign3A_1009 = arith.constant 0 : i32
    %sign3A_1010 = arith.cmpi slt, %add3A_1003, %sign3A_1009 : i32
    %sign3A_1011 = arith.extui %sign3A_1010 : i1 to i32
    %sign3A_1012 = arith.subi %sign3A_1008, %sign3A_1011 : i32
    %sign3A_1013 = arith.constant 0 : i32
    %sign3A_1014 = arith.cmpi sgt, %jit3A_1004, %sign3A_1013 : i32
    %sign3A_1015 = arith.extui %sign3A_1014 : i1 to i32
    %sign3A_1016 = arith.constant 0 : i32
    %sign3A_1017 = arith.cmpi slt, %jit3A_1004, %sign3A_1016 : i32
    %sign3A_1018 = arith.extui %sign3A_1017 : i1 to i32
    %sign3A_1019 = arith.subi %sign3A_1015, %sign3A_1018 : i32
    %ne3A_1020 = arith.cmpi ne, %sign3A_1012, %sign3A_1019 : i32
    %rem3A_1021 = arith.remsi %add3A_1003, %jit3A_1004 : i32
    %ne3A_1022 = arith.constant 0 : i32
    %ne3A_1023 = arith.cmpi ne, %rem3A_1021, %ne3A_1022 : i32
    %and3A_1024 = arith.andi %ne3A_1020, %ne3A_1023 : i1
    %sub3A_1025 = arith.constant 1 : i32
    %sub3A_1026 = arith.subi %div3A_1005, %sub3A_1025 : i32
    %select_n3A_1027 = arith.select %and3A_1024, %sub3A_1026, %div3A_1005 : i32
    %mul3A_1028 = arith.constant 8 : i32
    %mul3A_1029 = arith.muli %select_n3A_1027, %mul3A_1028 : i32
    %jit3A_1030 = arith.constant 16 : i32
    %eq3A_1031 = arith.constant 0 : i32
    %eq3A_1032 = arith.cmpi eq, %jit3A_1030, %eq3A_1031 : i32
    %jit3A_1033 = arith.constant 1 : i32
    %select_n3A_1034 = arith.select %eq3A_1032, %jit3A_1033, %jit3A_1030 : i32
    %rem3A_1035 = arith.remsi %add3A_1003, %select_n3A_1034 : i32
    %ne3A_1036 = arith.constant 0 : i32
    %ne3A_1037 = arith.cmpi ne, %rem3A_1035, %ne3A_1036 : i32
    %lt3A_1038 = arith.constant 0 : i32
    %lt3A_1039 = arith.cmpi slt, %rem3A_1035, %lt3A_1038 : i32
    %lt3A_1040 = arith.constant 0 : i32
    %lt3A_1041 = arith.cmpi slt, %select_n3A_1034, %lt3A_1040 : i32
    %ne3A_1042 = arith.xori %lt3A_1039, %lt3A_1041 : i1
    %and3A_1043 = arith.andi %ne3A_1042, %ne3A_1037 : i1
    %add3A_1044 = arith.addi %rem3A_1035, %select_n3A_1034 : i32
    %select_n3A_1045 = arith.select %and3A_1043, %add3A_1044, %rem3A_1035 : i32
    %mul3A_1046 = arith.constant 1024 : i32
    %mul3A_1047 = arith.muli %select_n3A_1045, %mul3A_1046 : i32
    %multiple_of3A_1048 = tpu.assume_multiple %mul3A_1047, 1024 : i32
    %add3A_1049 = arith.constant 160 : i32
    %add3A_1050 = arith.addi %add3A_1049, %add3A : i32
    %lt3A_1051 = arith.constant 400 : i32
    %lt3A_1052 = arith.cmpi slt, %add3A_1050, %lt3A_1051 : i32
    %convert_element_type3A_1053 = arith.extui %lt3A_1052 : i1 to i32
    %cond3A_1054 = arith.constant 0 : i32
    %cond3A_1055 = arith.cmpi ne, %convert_element_type3A_1053, %cond3A_1054 : i32
    scf.if %cond3A_1055 {
      %dma_start3A = tpu.memref_slice %arg4[%mul3A_1029, %multiple_of3A_1048] : memref<200x16384xf32, #tpu.memory_space<hbm>> -> memref<8x1024xf32, #tpu.memory_space<hbm>>
      %dma_start3A_1574 = tpu.memref_slice %arg4[%mul3A_1029, %multiple_of3A_1048] : memref<200x16384xf32, #tpu.memory_space<hbm>> -> memref<8x1024xf32, #tpu.memory_space<hbm>>
      tpu.enqueue_dma source(%arg11 : memref<8x1024xf32, #tpu.memory_space<vmem>>) target(%dma_start3A_1574 : memref<8x1024xf32, #tpu.memory_space<hbm>>) target_semaphore(%arg37 : memref<!tpu.dma_semaphore, #tpu.memory_space<semaphore_mem>>)
    } else {
    }
    %add3A_1056 = arith.constant 192 : i32
    %add3A_1057 = arith.addi %add3A_1056, %add3A : i32
    %lt3A_1058 = arith.constant 400 : i32
    %lt3A_1059 = arith.cmpi slt, %add3A_1057, %lt3A_1058 : i32
    %convert_element_type3A_1060 = arith.extui %lt3A_1059 : i1 to i32
    %cond3A_1061 = arith.constant 0 : i32
    %cond3A_1062 = arith.cmpi ne, %convert_element_type3A_1060, %cond3A_1061 : i32
    scf.if %cond3A_1062 {
      %dma_wait3A = arith.constant 0 : i32
      %dma_wait3A_1574 = arith.constant 0 : i32
      %dma_wait3A_1575 = tpu.memref_slice %arg2[%dma_wait3A, %dma_wait3A_1574] : memref<1000x16384xf32, #tpu.memory_space<hbm>> -> memref<8x1024xf32, #tpu.memory_space<hbm>>
      %dma_wait3A_1576 = arith.constant 0 : i32
      %dma_wait3A_1577 = arith.constant 0 : i32
      %dma_wait3A_1578 = tpu.memref_slice %arg2[%dma_wait3A_1576, %dma_wait3A_1577] : memref<1000x16384xf32, #tpu.memory_space<hbm>> -> memref<8x1024xf32, #tpu.memory_space<hbm>>
      tpu.wait_dma2 semaphore(%arg25 : memref<!tpu.dma_semaphore, #tpu.memory_space<semaphore_mem>>) src(%dma_wait3A_1578 : memref<8x1024xf32, #tpu.memory_space<hbm>>) dst(%arg12 : memref<8x1024xf32, #tpu.memory_space<vmem>>)
    } else {
    }
    %add3A_1063 = arith.constant 192 : i32
    %add3A_1064 = arith.addi %add3A_1063, %add3A : i32
    %jit3A_1065 = arith.constant 16 : i32
    %div3A_1066 = arith.divsi %add3A_1064, %jit3A_1065 : i32
    %sign3A_1067 = arith.constant 0 : i32
    %sign3A_1068 = arith.cmpi sgt, %add3A_1064, %sign3A_1067 : i32
    %sign3A_1069 = arith.extui %sign3A_1068 : i1 to i32
    %sign3A_1070 = arith.constant 0 : i32
    %sign3A_1071 = arith.cmpi slt, %add3A_1064, %sign3A_1070 : i32
    %sign3A_1072 = arith.extui %sign3A_1071 : i1 to i32
    %sign3A_1073 = arith.subi %sign3A_1069, %sign3A_1072 : i32
    %sign3A_1074 = arith.constant 0 : i32
    %sign3A_1075 = arith.cmpi sgt, %jit3A_1065, %sign3A_1074 : i32
    %sign3A_1076 = arith.extui %sign3A_1075 : i1 to i32
    %sign3A_1077 = arith.constant 0 : i32
    %sign3A_1078 = arith.cmpi slt, %jit3A_1065, %sign3A_1077 : i32
    %sign3A_1079 = arith.extui %sign3A_1078 : i1 to i32
    %sign3A_1080 = arith.subi %sign3A_1076, %sign3A_1079 : i32
    %ne3A_1081 = arith.cmpi ne, %sign3A_1073, %sign3A_1080 : i32
    %rem3A_1082 = arith.remsi %add3A_1064, %jit3A_1065 : i32
    %ne3A_1083 = arith.constant 0 : i32
    %ne3A_1084 = arith.cmpi ne, %rem3A_1082, %ne3A_1083 : i32
    %and3A_1085 = arith.andi %ne3A_1081, %ne3A_1084 : i1
    %sub3A_1086 = arith.constant 1 : i32
    %sub3A_1087 = arith.subi %div3A_1066, %sub3A_1086 : i32
    %select_n3A_1088 = arith.select %and3A_1085, %sub3A_1087, %div3A_1066 : i32
    %mul3A_1089 = arith.constant 8 : i32
    %mul3A_1090 = arith.muli %select_n3A_1088, %mul3A_1089 : i32
    %jit3A_1091 = arith.constant 16 : i32
    %eq3A_1092 = arith.constant 0 : i32
    %eq3A_1093 = arith.cmpi eq, %jit3A_1091, %eq3A_1092 : i32
    %jit3A_1094 = arith.constant 1 : i32
    %select_n3A_1095 = arith.select %eq3A_1093, %jit3A_1094, %jit3A_1091 : i32
    %rem3A_1096 = arith.remsi %add3A_1064, %select_n3A_1095 : i32
    %ne3A_1097 = arith.constant 0 : i32
    %ne3A_1098 = arith.cmpi ne, %rem3A_1096, %ne3A_1097 : i32
    %lt3A_1099 = arith.constant 0 : i32
    %lt3A_1100 = arith.cmpi slt, %rem3A_1096, %lt3A_1099 : i32
    %lt3A_1101 = arith.constant 0 : i32
    %lt3A_1102 = arith.cmpi slt, %select_n3A_1095, %lt3A_1101 : i32
    %ne3A_1103 = arith.xori %lt3A_1100, %lt3A_1102 : i1
    %and3A_1104 = arith.andi %ne3A_1103, %ne3A_1098 : i1
    %add3A_1105 = arith.addi %rem3A_1096, %select_n3A_1095 : i32
    %select_n3A_1106 = arith.select %and3A_1104, %add3A_1105, %rem3A_1096 : i32
    %mul3A_1107 = arith.constant 1024 : i32
    %mul3A_1108 = arith.muli %select_n3A_1106, %mul3A_1107 : i32
    %multiple_of3A_1109 = tpu.assume_multiple %mul3A_1108, 1024 : i32
    %add3A_1110 = arith.constant 192 : i32
    %add3A_1111 = arith.addi %add3A_1110, %add3A : i32
    %lt3A_1112 = arith.constant 400 : i32
    %lt3A_1113 = arith.cmpi slt, %add3A_1111, %lt3A_1112 : i32
    %convert_element_type3A_1114 = arith.extui %lt3A_1113 : i1 to i32
    %cond3A_1115 = arith.constant 0 : i32
    %cond3A_1116 = arith.cmpi ne, %convert_element_type3A_1114, %cond3A_1115 : i32
    scf.if %cond3A_1116 {
      %dma_start3A = tpu.memref_slice %arg4[%mul3A_1090, %multiple_of3A_1109] : memref<200x16384xf32, #tpu.memory_space<hbm>> -> memref<8x1024xf32, #tpu.memory_space<hbm>>
      %dma_start3A_1574 = tpu.memref_slice %arg4[%mul3A_1090, %multiple_of3A_1109] : memref<200x16384xf32, #tpu.memory_space<hbm>> -> memref<8x1024xf32, #tpu.memory_space<hbm>>
      tpu.enqueue_dma source(%arg12 : memref<8x1024xf32, #tpu.memory_space<vmem>>) target(%dma_start3A_1574 : memref<8x1024xf32, #tpu.memory_space<hbm>>) target_semaphore(%arg38 : memref<!tpu.dma_semaphore, #tpu.memory_space<semaphore_mem>>)
    } else {
    }
    %add3A_1117 = arith.constant 224 : i32
    %add3A_1118 = arith.addi %add3A_1117, %add3A : i32
    %lt3A_1119 = arith.constant 400 : i32
    %lt3A_1120 = arith.cmpi slt, %add3A_1118, %lt3A_1119 : i32
    %convert_element_type3A_1121 = arith.extui %lt3A_1120 : i1 to i32
    %cond3A_1122 = arith.constant 0 : i32
    %cond3A_1123 = arith.cmpi ne, %convert_element_type3A_1121, %cond3A_1122 : i32
    scf.if %cond3A_1123 {
      %dma_wait3A = arith.constant 0 : i32
      %dma_wait3A_1574 = arith.constant 0 : i32
      %dma_wait3A_1575 = tpu.memref_slice %arg2[%dma_wait3A, %dma_wait3A_1574] : memref<1000x16384xf32, #tpu.memory_space<hbm>> -> memref<8x1024xf32, #tpu.memory_space<hbm>>
      %dma_wait3A_1576 = arith.constant 0 : i32
      %dma_wait3A_1577 = arith.constant 0 : i32
      %dma_wait3A_1578 = tpu.memref_slice %arg2[%dma_wait3A_1576, %dma_wait3A_1577] : memref<1000x16384xf32, #tpu.memory_space<hbm>> -> memref<8x1024xf32, #tpu.memory_space<hbm>>
      tpu.wait_dma2 semaphore(%arg26 : memref<!tpu.dma_semaphore, #tpu.memory_space<semaphore_mem>>) src(%dma_wait3A_1578 : memref<8x1024xf32, #tpu.memory_space<hbm>>) dst(%arg13 : memref<8x1024xf32, #tpu.memory_space<vmem>>)
    } else {
    }
    %add3A_1124 = arith.constant 224 : i32
    %add3A_1125 = arith.addi %add3A_1124, %add3A : i32
    %jit3A_1126 = arith.constant 16 : i32
    %div3A_1127 = arith.divsi %add3A_1125, %jit3A_1126 : i32
    %sign3A_1128 = arith.constant 0 : i32
    %sign3A_1129 = arith.cmpi sgt, %add3A_1125, %sign3A_1128 : i32
    %sign3A_1130 = arith.extui %sign3A_1129 : i1 to i32
    %sign3A_1131 = arith.constant 0 : i32
    %sign3A_1132 = arith.cmpi slt, %add3A_1125, %sign3A_1131 : i32
    %sign3A_1133 = arith.extui %sign3A_1132 : i1 to i32
    %sign3A_1134 = arith.subi %sign3A_1130, %sign3A_1133 : i32
    %sign3A_1135 = arith.constant 0 : i32
    %sign3A_1136 = arith.cmpi sgt, %jit3A_1126, %sign3A_1135 : i32
    %sign3A_1137 = arith.extui %sign3A_1136 : i1 to i32
    %sign3A_1138 = arith.constant 0 : i32
    %sign3A_1139 = arith.cmpi slt, %jit3A_1126, %sign3A_1138 : i32
    %sign3A_1140 = arith.extui %sign3A_1139 : i1 to i32
    %sign3A_1141 = arith.subi %sign3A_1137, %sign3A_1140 : i32
    %ne3A_1142 = arith.cmpi ne, %sign3A_1134, %sign3A_1141 : i32
    %rem3A_1143 = arith.remsi %add3A_1125, %jit3A_1126 : i32
    %ne3A_1144 = arith.constant 0 : i32
    %ne3A_1145 = arith.cmpi ne, %rem3A_1143, %ne3A_1144 : i32
    %and3A_1146 = arith.andi %ne3A_1142, %ne3A_1145 : i1
    %sub3A_1147 = arith.constant 1 : i32
    %sub3A_1148 = arith.subi %div3A_1127, %sub3A_1147 : i32
    %select_n3A_1149 = arith.select %and3A_1146, %sub3A_1148, %div3A_1127 : i32
    %mul3A_1150 = arith.constant 8 : i32
    %mul3A_1151 = arith.muli %select_n3A_1149, %mul3A_1150 : i32
    %jit3A_1152 = arith.constant 16 : i32
    %eq3A_1153 = arith.constant 0 : i32
    %eq3A_1154 = arith.cmpi eq, %jit3A_1152, %eq3A_1153 : i32
    %jit3A_1155 = arith.constant 1 : i32
    %select_n3A_1156 = arith.select %eq3A_1154, %jit3A_1155, %jit3A_1152 : i32
    %rem3A_1157 = arith.remsi %add3A_1125, %select_n3A_1156 : i32
    %ne3A_1158 = arith.constant 0 : i32
    %ne3A_1159 = arith.cmpi ne, %rem3A_1157, %ne3A_1158 : i32
    %lt3A_1160 = arith.constant 0 : i32
    %lt3A_1161 = arith.cmpi slt, %rem3A_1157, %lt3A_1160 : i32
    %lt3A_1162 = arith.constant 0 : i32
    %lt3A_1163 = arith.cmpi slt, %select_n3A_1156, %lt3A_1162 : i32
    %ne3A_1164 = arith.xori %lt3A_1161, %lt3A_1163 : i1
    %and3A_1165 = arith.andi %ne3A_1164, %ne3A_1159 : i1
    %add3A_1166 = arith.addi %rem3A_1157, %select_n3A_1156 : i32
    %select_n3A_1167 = arith.select %and3A_1165, %add3A_1166, %rem3A_1157 : i32
    %mul3A_1168 = arith.constant 1024 : i32
    %mul3A_1169 = arith.muli %select_n3A_1167, %mul3A_1168 : i32
    %multiple_of3A_1170 = tpu.assume_multiple %mul3A_1169, 1024 : i32
    %add3A_1171 = arith.constant 224 : i32
    %add3A_1172 = arith.addi %add3A_1171, %add3A : i32
    %lt3A_1173 = arith.constant 400 : i32
    %lt3A_1174 = arith.cmpi slt, %add3A_1172, %lt3A_1173 : i32
    %convert_element_type3A_1175 = arith.extui %lt3A_1174 : i1 to i32
    %cond3A_1176 = arith.constant 0 : i32
    %cond3A_1177 = arith.cmpi ne, %convert_element_type3A_1175, %cond3A_1176 : i32
    scf.if %cond3A_1177 {
      %dma_start3A = tpu.memref_slice %arg4[%mul3A_1151, %multiple_of3A_1170] : memref<200x16384xf32, #tpu.memory_space<hbm>> -> memref<8x1024xf32, #tpu.memory_space<hbm>>
      %dma_start3A_1574 = tpu.memref_slice %arg4[%mul3A_1151, %multiple_of3A_1170] : memref<200x16384xf32, #tpu.memory_space<hbm>> -> memref<8x1024xf32, #tpu.memory_space<hbm>>
      tpu.enqueue_dma source(%arg13 : memref<8x1024xf32, #tpu.memory_space<vmem>>) target(%dma_start3A_1574 : memref<8x1024xf32, #tpu.memory_space<hbm>>) target_semaphore(%arg39 : memref<!tpu.dma_semaphore, #tpu.memory_space<semaphore_mem>>)
    } else {
    }
    %add3A_1178 = arith.constant 256 : i32
    %add3A_1179 = arith.addi %add3A_1178, %add3A : i32
    %lt3A_1180 = arith.constant 400 : i32
    %lt3A_1181 = arith.cmpi slt, %add3A_1179, %lt3A_1180 : i32
    %convert_element_type3A_1182 = arith.extui %lt3A_1181 : i1 to i32
    %cond3A_1183 = arith.constant 0 : i32
    %cond3A_1184 = arith.cmpi ne, %convert_element_type3A_1182, %cond3A_1183 : i32
    scf.if %cond3A_1184 {
      %dma_wait3A = arith.constant 0 : i32
      %dma_wait3A_1574 = arith.constant 0 : i32
      %dma_wait3A_1575 = tpu.memref_slice %arg2[%dma_wait3A, %dma_wait3A_1574] : memref<1000x16384xf32, #tpu.memory_space<hbm>> -> memref<8x1024xf32, #tpu.memory_space<hbm>>
      %dma_wait3A_1576 = arith.constant 0 : i32
      %dma_wait3A_1577 = arith.constant 0 : i32
      %dma_wait3A_1578 = tpu.memref_slice %arg2[%dma_wait3A_1576, %dma_wait3A_1577] : memref<1000x16384xf32, #tpu.memory_space<hbm>> -> memref<8x1024xf32, #tpu.memory_space<hbm>>
      tpu.wait_dma2 semaphore(%arg27 : memref<!tpu.dma_semaphore, #tpu.memory_space<semaphore_mem>>) src(%dma_wait3A_1578 : memref<8x1024xf32, #tpu.memory_space<hbm>>) dst(%arg14 : memref<8x1024xf32, #tpu.memory_space<vmem>>)
    } else {
    }
    %add3A_1185 = arith.constant 256 : i32
    %add3A_1186 = arith.addi %add3A_1185, %add3A : i32
    %jit3A_1187 = arith.constant 16 : i32
    %div3A_1188 = arith.divsi %add3A_1186, %jit3A_1187 : i32
    %sign3A_1189 = arith.constant 0 : i32
    %sign3A_1190 = arith.cmpi sgt, %add3A_1186, %sign3A_1189 : i32
    %sign3A_1191 = arith.extui %sign3A_1190 : i1 to i32
    %sign3A_1192 = arith.constant 0 : i32
    %sign3A_1193 = arith.cmpi slt, %add3A_1186, %sign3A_1192 : i32
    %sign3A_1194 = arith.extui %sign3A_1193 : i1 to i32
    %sign3A_1195 = arith.subi %sign3A_1191, %sign3A_1194 : i32
    %sign3A_1196 = arith.constant 0 : i32
    %sign3A_1197 = arith.cmpi sgt, %jit3A_1187, %sign3A_1196 : i32
    %sign3A_1198 = arith.extui %sign3A_1197 : i1 to i32
    %sign3A_1199 = arith.constant 0 : i32
    %sign3A_1200 = arith.cmpi slt, %jit3A_1187, %sign3A_1199 : i32
    %sign3A_1201 = arith.extui %sign3A_1200 : i1 to i32
    %sign3A_1202 = arith.subi %sign3A_1198, %sign3A_1201 : i32
    %ne3A_1203 = arith.cmpi ne, %sign3A_1195, %sign3A_1202 : i32
    %rem3A_1204 = arith.remsi %add3A_1186, %jit3A_1187 : i32
    %ne3A_1205 = arith.constant 0 : i32
    %ne3A_1206 = arith.cmpi ne, %rem3A_1204, %ne3A_1205 : i32
    %and3A_1207 = arith.andi %ne3A_1203, %ne3A_1206 : i1
    %sub3A_1208 = arith.constant 1 : i32
    %sub3A_1209 = arith.subi %div3A_1188, %sub3A_1208 : i32
    %select_n3A_1210 = arith.select %and3A_1207, %sub3A_1209, %div3A_1188 : i32
    %mul3A_1211 = arith.constant 8 : i32
    %mul3A_1212 = arith.muli %select_n3A_1210, %mul3A_1211 : i32
    %jit3A_1213 = arith.constant 16 : i32
    %eq3A_1214 = arith.constant 0 : i32
    %eq3A_1215 = arith.cmpi eq, %jit3A_1213, %eq3A_1214 : i32
    %jit3A_1216 = arith.constant 1 : i32
    %select_n3A_1217 = arith.select %eq3A_1215, %jit3A_1216, %jit3A_1213 : i32
    %rem3A_1218 = arith.remsi %add3A_1186, %select_n3A_1217 : i32
    %ne3A_1219 = arith.constant 0 : i32
    %ne3A_1220 = arith.cmpi ne, %rem3A_1218, %ne3A_1219 : i32
    %lt3A_1221 = arith.constant 0 : i32
    %lt3A_1222 = arith.cmpi slt, %rem3A_1218, %lt3A_1221 : i32
    %lt3A_1223 = arith.constant 0 : i32
    %lt3A_1224 = arith.cmpi slt, %select_n3A_1217, %lt3A_1223 : i32
    %ne3A_1225 = arith.xori %lt3A_1222, %lt3A_1224 : i1
    %and3A_1226 = arith.andi %ne3A_1225, %ne3A_1220 : i1
    %add3A_1227 = arith.addi %rem3A_1218, %select_n3A_1217 : i32
    %select_n3A_1228 = arith.select %and3A_1226, %add3A_1227, %rem3A_1218 : i32
    %mul3A_1229 = arith.constant 1024 : i32
    %mul3A_1230 = arith.muli %select_n3A_1228, %mul3A_1229 : i32
    %multiple_of3A_1231 = tpu.assume_multiple %mul3A_1230, 1024 : i32
    %add3A_1232 = arith.constant 256 : i32
    %add3A_1233 = arith.addi %add3A_1232, %add3A : i32
    %lt3A_1234 = arith.constant 400 : i32
    %lt3A_1235 = arith.cmpi slt, %add3A_1233, %lt3A_1234 : i32
    %convert_element_type3A_1236 = arith.extui %lt3A_1235 : i1 to i32
    %cond3A_1237 = arith.constant 0 : i32
    %cond3A_1238 = arith.cmpi ne, %convert_element_type3A_1236, %cond3A_1237 : i32
    scf.if %cond3A_1238 {
      %dma_start3A = tpu.memref_slice %arg4[%mul3A_1212, %multiple_of3A_1231] : memref<200x16384xf32, #tpu.memory_space<hbm>> -> memref<8x1024xf32, #tpu.memory_space<hbm>>
      %dma_start3A_1574 = tpu.memref_slice %arg4[%mul3A_1212, %multiple_of3A_1231] : memref<200x16384xf32, #tpu.memory_space<hbm>> -> memref<8x1024xf32, #tpu.memory_space<hbm>>
      tpu.enqueue_dma source(%arg14 : memref<8x1024xf32, #tpu.memory_space<vmem>>) target(%dma_start3A_1574 : memref<8x1024xf32, #tpu.memory_space<hbm>>) target_semaphore(%arg40 : memref<!tpu.dma_semaphore, #tpu.memory_space<semaphore_mem>>)
    } else {
    }
    %add3A_1239 = arith.constant 288 : i32
    %add3A_1240 = arith.addi %add3A_1239, %add3A : i32
    %lt3A_1241 = arith.constant 400 : i32
    %lt3A_1242 = arith.cmpi slt, %add3A_1240, %lt3A_1241 : i32
    %convert_element_type3A_1243 = arith.extui %lt3A_1242 : i1 to i32
    %cond3A_1244 = arith.constant 0 : i32
    %cond3A_1245 = arith.cmpi ne, %convert_element_type3A_1243, %cond3A_1244 : i32
    scf.if %cond3A_1245 {
      %dma_wait3A = arith.constant 0 : i32
      %dma_wait3A_1574 = arith.constant 0 : i32
      %dma_wait3A_1575 = tpu.memref_slice %arg2[%dma_wait3A, %dma_wait3A_1574] : memref<1000x16384xf32, #tpu.memory_space<hbm>> -> memref<8x1024xf32, #tpu.memory_space<hbm>>
      %dma_wait3A_1576 = arith.constant 0 : i32
      %dma_wait3A_1577 = arith.constant 0 : i32
      %dma_wait3A_1578 = tpu.memref_slice %arg2[%dma_wait3A_1576, %dma_wait3A_1577] : memref<1000x16384xf32, #tpu.memory_space<hbm>> -> memref<8x1024xf32, #tpu.memory_space<hbm>>
      tpu.wait_dma2 semaphore(%arg28 : memref<!tpu.dma_semaphore, #tpu.memory_space<semaphore_mem>>) src(%dma_wait3A_1578 : memref<8x1024xf32, #tpu.memory_space<hbm>>) dst(%arg15 : memref<8x1024xf32, #tpu.memory_space<vmem>>)
    } else {
    }
    %add3A_1246 = arith.constant 288 : i32
    %add3A_1247 = arith.addi %add3A_1246, %add3A : i32
    %jit3A_1248 = arith.constant 16 : i32
    %div3A_1249 = arith.divsi %add3A_1247, %jit3A_1248 : i32
    %sign3A_1250 = arith.constant 0 : i32
    %sign3A_1251 = arith.cmpi sgt, %add3A_1247, %sign3A_1250 : i32
    %sign3A_1252 = arith.extui %sign3A_1251 : i1 to i32
    %sign3A_1253 = arith.constant 0 : i32
    %sign3A_1254 = arith.cmpi slt, %add3A_1247, %sign3A_1253 : i32
    %sign3A_1255 = arith.extui %sign3A_1254 : i1 to i32
    %sign3A_1256 = arith.subi %sign3A_1252, %sign3A_1255 : i32
    %sign3A_1257 = arith.constant 0 : i32
    %sign3A_1258 = arith.cmpi sgt, %jit3A_1248, %sign3A_1257 : i32
    %sign3A_1259 = arith.extui %sign3A_1258 : i1 to i32
    %sign3A_1260 = arith.constant 0 : i32
    %sign3A_1261 = arith.cmpi slt, %jit3A_1248, %sign3A_1260 : i32
    %sign3A_1262 = arith.extui %sign3A_1261 : i1 to i32
    %sign3A_1263 = arith.subi %sign3A_1259, %sign3A_1262 : i32
    %ne3A_1264 = arith.cmpi ne, %sign3A_1256, %sign3A_1263 : i32
    %rem3A_1265 = arith.remsi %add3A_1247, %jit3A_1248 : i32
    %ne3A_1266 = arith.constant 0 : i32
    %ne3A_1267 = arith.cmpi ne, %rem3A_1265, %ne3A_1266 : i32
    %and3A_1268 = arith.andi %ne3A_1264, %ne3A_1267 : i1
    %sub3A_1269 = arith.constant 1 : i32
    %sub3A_1270 = arith.subi %div3A_1249, %sub3A_1269 : i32
    %select_n3A_1271 = arith.select %and3A_1268, %sub3A_1270, %div3A_1249 : i32
    %mul3A_1272 = arith.constant 8 : i32
    %mul3A_1273 = arith.muli %select_n3A_1271, %mul3A_1272 : i32
    %jit3A_1274 = arith.constant 16 : i32
    %eq3A_1275 = arith.constant 0 : i32
    %eq3A_1276 = arith.cmpi eq, %jit3A_1274, %eq3A_1275 : i32
    %jit3A_1277 = arith.constant 1 : i32
    %select_n3A_1278 = arith.select %eq3A_1276, %jit3A_1277, %jit3A_1274 : i32
    %rem3A_1279 = arith.remsi %add3A_1247, %select_n3A_1278 : i32
    %ne3A_1280 = arith.constant 0 : i32
    %ne3A_1281 = arith.cmpi ne, %rem3A_1279, %ne3A_1280 : i32
    %lt3A_1282 = arith.constant 0 : i32
    %lt3A_1283 = arith.cmpi slt, %rem3A_1279, %lt3A_1282 : i32
    %lt3A_1284 = arith.constant 0 : i32
    %lt3A_1285 = arith.cmpi slt, %select_n3A_1278, %lt3A_1284 : i32
    %ne3A_1286 = arith.xori %lt3A_1283, %lt3A_1285 : i1
    %and3A_1287 = arith.andi %ne3A_1286, %ne3A_1281 : i1
    %add3A_1288 = arith.addi %rem3A_1279, %select_n3A_1278 : i32
    %select_n3A_1289 = arith.select %and3A_1287, %add3A_1288, %rem3A_1279 : i32
    %mul3A_1290 = arith.constant 1024 : i32
    %mul3A_1291 = arith.muli %select_n3A_1289, %mul3A_1290 : i32
    %multiple_of3A_1292 = tpu.assume_multiple %mul3A_1291, 1024 : i32
    %add3A_1293 = arith.constant 288 : i32
    %add3A_1294 = arith.addi %add3A_1293, %add3A : i32
    %lt3A_1295 = arith.constant 400 : i32
    %lt3A_1296 = arith.cmpi slt, %add3A_1294, %lt3A_1295 : i32
    %convert_element_type3A_1297 = arith.extui %lt3A_1296 : i1 to i32
    %cond3A_1298 = arith.constant 0 : i32
    %cond3A_1299 = arith.cmpi ne, %convert_element_type3A_1297, %cond3A_1298 : i32
    scf.if %cond3A_1299 {
      %dma_start3A = tpu.memref_slice %arg4[%mul3A_1273, %multiple_of3A_1292] : memref<200x16384xf32, #tpu.memory_space<hbm>> -> memref<8x1024xf32, #tpu.memory_space<hbm>>
      %dma_start3A_1574 = tpu.memref_slice %arg4[%mul3A_1273, %multiple_of3A_1292] : memref<200x16384xf32, #tpu.memory_space<hbm>> -> memref<8x1024xf32, #tpu.memory_space<hbm>>
      tpu.enqueue_dma source(%arg15 : memref<8x1024xf32, #tpu.memory_space<vmem>>) target(%dma_start3A_1574 : memref<8x1024xf32, #tpu.memory_space<hbm>>) target_semaphore(%arg41 : memref<!tpu.dma_semaphore, #tpu.memory_space<semaphore_mem>>)
    } else {
    }
    %add3A_1300 = arith.constant 320 : i32
    %add3A_1301 = arith.addi %add3A_1300, %add3A : i32
    %lt3A_1302 = arith.constant 400 : i32
    %lt3A_1303 = arith.cmpi slt, %add3A_1301, %lt3A_1302 : i32
    %convert_element_type3A_1304 = arith.extui %lt3A_1303 : i1 to i32
    %cond3A_1305 = arith.constant 0 : i32
    %cond3A_1306 = arith.cmpi ne, %convert_element_type3A_1304, %cond3A_1305 : i32
    scf.if %cond3A_1306 {
      %dma_wait3A = arith.constant 0 : i32
      %dma_wait3A_1574 = arith.constant 0 : i32
      %dma_wait3A_1575 = tpu.memref_slice %arg2[%dma_wait3A, %dma_wait3A_1574] : memref<1000x16384xf32, #tpu.memory_space<hbm>> -> memref<8x1024xf32, #tpu.memory_space<hbm>>
      %dma_wait3A_1576 = arith.constant 0 : i32
      %dma_wait3A_1577 = arith.constant 0 : i32
      %dma_wait3A_1578 = tpu.memref_slice %arg2[%dma_wait3A_1576, %dma_wait3A_1577] : memref<1000x16384xf32, #tpu.memory_space<hbm>> -> memref<8x1024xf32, #tpu.memory_space<hbm>>
      tpu.wait_dma2 semaphore(%arg29 : memref<!tpu.dma_semaphore, #tpu.memory_space<semaphore_mem>>) src(%dma_wait3A_1578 : memref<8x1024xf32, #tpu.memory_space<hbm>>) dst(%arg16 : memref<8x1024xf32, #tpu.memory_space<vmem>>)
    } else {
    }
    %add3A_1307 = arith.constant 320 : i32
    %add3A_1308 = arith.addi %add3A_1307, %add3A : i32
    %jit3A_1309 = arith.constant 16 : i32
    %div3A_1310 = arith.divsi %add3A_1308, %jit3A_1309 : i32
    %sign3A_1311 = arith.constant 0 : i32
    %sign3A_1312 = arith.cmpi sgt, %add3A_1308, %sign3A_1311 : i32
    %sign3A_1313 = arith.extui %sign3A_1312 : i1 to i32
    %sign3A_1314 = arith.constant 0 : i32
    %sign3A_1315 = arith.cmpi slt, %add3A_1308, %sign3A_1314 : i32
    %sign3A_1316 = arith.extui %sign3A_1315 : i1 to i32
    %sign3A_1317 = arith.subi %sign3A_1313, %sign3A_1316 : i32
    %sign3A_1318 = arith.constant 0 : i32
    %sign3A_1319 = arith.cmpi sgt, %jit3A_1309, %sign3A_1318 : i32
    %sign3A_1320 = arith.extui %sign3A_1319 : i1 to i32
    %sign3A_1321 = arith.constant 0 : i32
    %sign3A_1322 = arith.cmpi slt, %jit3A_1309, %sign3A_1321 : i32
    %sign3A_1323 = arith.extui %sign3A_1322 : i1 to i32
    %sign3A_1324 = arith.subi %sign3A_1320, %sign3A_1323 : i32
    %ne3A_1325 = arith.cmpi ne, %sign3A_1317, %sign3A_1324 : i32
    %rem3A_1326 = arith.remsi %add3A_1308, %jit3A_1309 : i32
    %ne3A_1327 = arith.constant 0 : i32
    %ne3A_1328 = arith.cmpi ne, %rem3A_1326, %ne3A_1327 : i32
    %and3A_1329 = arith.andi %ne3A_1325, %ne3A_1328 : i1
    %sub3A_1330 = arith.constant 1 : i32
    %sub3A_1331 = arith.subi %div3A_1310, %sub3A_1330 : i32
    %select_n3A_1332 = arith.select %and3A_1329, %sub3A_1331, %div3A_1310 : i32
    %mul3A_1333 = arith.constant 8 : i32
    %mul3A_1334 = arith.muli %select_n3A_1332, %mul3A_1333 : i32
    %jit3A_1335 = arith.constant 16 : i32
    %eq3A_1336 = arith.constant 0 : i32
    %eq3A_1337 = arith.cmpi eq, %jit3A_1335, %eq3A_1336 : i32
    %jit3A_1338 = arith.constant 1 : i32
    %select_n3A_1339 = arith.select %eq3A_1337, %jit3A_1338, %jit3A_1335 : i32
    %rem3A_1340 = arith.remsi %add3A_1308, %select_n3A_1339 : i32
    %ne3A_1341 = arith.constant 0 : i32
    %ne3A_1342 = arith.cmpi ne, %rem3A_1340, %ne3A_1341 : i32
    %lt3A_1343 = arith.constant 0 : i32
    %lt3A_1344 = arith.cmpi slt, %rem3A_1340, %lt3A_1343 : i32
    %lt3A_1345 = arith.constant 0 : i32
    %lt3A_1346 = arith.cmpi slt, %select_n3A_1339, %lt3A_1345 : i32
    %ne3A_1347 = arith.xori %lt3A_1344, %lt3A_1346 : i1
    %and3A_1348 = arith.andi %ne3A_1347, %ne3A_1342 : i1
    %add3A_1349 = arith.addi %rem3A_1340, %select_n3A_1339 : i32
    %select_n3A_1350 = arith.select %and3A_1348, %add3A_1349, %rem3A_1340 : i32
    %mul3A_1351 = arith.constant 1024 : i32
    %mul3A_1352 = arith.muli %select_n3A_1350, %mul3A_1351 : i32
    %multiple_of3A_1353 = tpu.assume_multiple %mul3A_1352, 1024 : i32
    %add3A_1354 = arith.constant 320 : i32
    %add3A_1355 = arith.addi %add3A_1354, %add3A : i32
    %lt3A_1356 = arith.constant 400 : i32
    %lt3A_1357 = arith.cmpi slt, %add3A_1355, %lt3A_1356 : i32
    %convert_element_type3A_1358 = arith.extui %lt3A_1357 : i1 to i32
    %cond3A_1359 = arith.constant 0 : i32
    %cond3A_1360 = arith.cmpi ne, %convert_element_type3A_1358, %cond3A_1359 : i32
    scf.if %cond3A_1360 {
      %dma_start3A = tpu.memref_slice %arg4[%mul3A_1334, %multiple_of3A_1353] : memref<200x16384xf32, #tpu.memory_space<hbm>> -> memref<8x1024xf32, #tpu.memory_space<hbm>>
      %dma_start3A_1574 = tpu.memref_slice %arg4[%mul3A_1334, %multiple_of3A_1353] : memref<200x16384xf32, #tpu.memory_space<hbm>> -> memref<8x1024xf32, #tpu.memory_space<hbm>>
      tpu.enqueue_dma source(%arg16 : memref<8x1024xf32, #tpu.memory_space<vmem>>) target(%dma_start3A_1574 : memref<8x1024xf32, #tpu.memory_space<hbm>>) target_semaphore(%arg42 : memref<!tpu.dma_semaphore, #tpu.memory_space<semaphore_mem>>)
    } else {
    }
    %add3A_1361 = arith.constant 352 : i32
    %add3A_1362 = arith.addi %add3A_1361, %add3A : i32
    %lt3A_1363 = arith.constant 400 : i32
    %lt3A_1364 = arith.cmpi slt, %add3A_1362, %lt3A_1363 : i32
    %convert_element_type3A_1365 = arith.extui %lt3A_1364 : i1 to i32
    %cond3A_1366 = arith.constant 0 : i32
    %cond3A_1367 = arith.cmpi ne, %convert_element_type3A_1365, %cond3A_1366 : i32
    scf.if %cond3A_1367 {
      %dma_wait3A = arith.constant 0 : i32
      %dma_wait3A_1574 = arith.constant 0 : i32
      %dma_wait3A_1575 = tpu.memref_slice %arg2[%dma_wait3A, %dma_wait3A_1574] : memref<1000x16384xf32, #tpu.memory_space<hbm>> -> memref<8x1024xf32, #tpu.memory_space<hbm>>
      %dma_wait3A_1576 = arith.constant 0 : i32
      %dma_wait3A_1577 = arith.constant 0 : i32
      %dma_wait3A_1578 = tpu.memref_slice %arg2[%dma_wait3A_1576, %dma_wait3A_1577] : memref<1000x16384xf32, #tpu.memory_space<hbm>> -> memref<8x1024xf32, #tpu.memory_space<hbm>>
      tpu.wait_dma2 semaphore(%arg30 : memref<!tpu.dma_semaphore, #tpu.memory_space<semaphore_mem>>) src(%dma_wait3A_1578 : memref<8x1024xf32, #tpu.memory_space<hbm>>) dst(%arg17 : memref<8x1024xf32, #tpu.memory_space<vmem>>)
    } else {
    }
    %add3A_1368 = arith.constant 352 : i32
    %add3A_1369 = arith.addi %add3A_1368, %add3A : i32
    %jit3A_1370 = arith.constant 16 : i32
    %div3A_1371 = arith.divsi %add3A_1369, %jit3A_1370 : i32
    %sign3A_1372 = arith.constant 0 : i32
    %sign3A_1373 = arith.cmpi sgt, %add3A_1369, %sign3A_1372 : i32
    %sign3A_1374 = arith.extui %sign3A_1373 : i1 to i32
    %sign3A_1375 = arith.constant 0 : i32
    %sign3A_1376 = arith.cmpi slt, %add3A_1369, %sign3A_1375 : i32
    %sign3A_1377 = arith.extui %sign3A_1376 : i1 to i32
    %sign3A_1378 = arith.subi %sign3A_1374, %sign3A_1377 : i32
    %sign3A_1379 = arith.constant 0 : i32
    %sign3A_1380 = arith.cmpi sgt, %jit3A_1370, %sign3A_1379 : i32
    %sign3A_1381 = arith.extui %sign3A_1380 : i1 to i32
    %sign3A_1382 = arith.constant 0 : i32
    %sign3A_1383 = arith.cmpi slt, %jit3A_1370, %sign3A_1382 : i32
    %sign3A_1384 = arith.extui %sign3A_1383 : i1 to i32
    %sign3A_1385 = arith.subi %sign3A_1381, %sign3A_1384 : i32
    %ne3A_1386 = arith.cmpi ne, %sign3A_1378, %sign3A_1385 : i32
    %rem3A_1387 = arith.remsi %add3A_1369, %jit3A_1370 : i32
    %ne3A_1388 = arith.constant 0 : i32
    %ne3A_1389 = arith.cmpi ne, %rem3A_1387, %ne3A_1388 : i32
    %and3A_1390 = arith.andi %ne3A_1386, %ne3A_1389 : i1
    %sub3A_1391 = arith.constant 1 : i32
    %sub3A_1392 = arith.subi %div3A_1371, %sub3A_1391 : i32
    %select_n3A_1393 = arith.select %and3A_1390, %sub3A_1392, %div3A_1371 : i32
    %mul3A_1394 = arith.constant 8 : i32
    %mul3A_1395 = arith.muli %select_n3A_1393, %mul3A_1394 : i32
    %jit3A_1396 = arith.constant 16 : i32
    %eq3A_1397 = arith.constant 0 : i32
    %eq3A_1398 = arith.cmpi eq, %jit3A_1396, %eq3A_1397 : i32
    %jit3A_1399 = arith.constant 1 : i32
    %select_n3A_1400 = arith.select %eq3A_1398, %jit3A_1399, %jit3A_1396 : i32
    %rem3A_1401 = arith.remsi %add3A_1369, %select_n3A_1400 : i32
    %ne3A_1402 = arith.constant 0 : i32
    %ne3A_1403 = arith.cmpi ne, %rem3A_1401, %ne3A_1402 : i32
    %lt3A_1404 = arith.constant 0 : i32
    %lt3A_1405 = arith.cmpi slt, %rem3A_1401, %lt3A_1404 : i32
    %lt3A_1406 = arith.constant 0 : i32
    %lt3A_1407 = arith.cmpi slt, %select_n3A_1400, %lt3A_1406 : i32
    %ne3A_1408 = arith.xori %lt3A_1405, %lt3A_1407 : i1
    %and3A_1409 = arith.andi %ne3A_1408, %ne3A_1403 : i1
    %add3A_1410 = arith.addi %rem3A_1401, %select_n3A_1400 : i32
    %select_n3A_1411 = arith.select %and3A_1409, %add3A_1410, %rem3A_1401 : i32
    %mul3A_1412 = arith.constant 1024 : i32
    %mul3A_1413 = arith.muli %select_n3A_1411, %mul3A_1412 : i32
    %multiple_of3A_1414 = tpu.assume_multiple %mul3A_1413, 1024 : i32
    %add3A_1415 = arith.constant 352 : i32
    %add3A_1416 = arith.addi %add3A_1415, %add3A : i32
    %lt3A_1417 = arith.constant 400 : i32
    %lt3A_1418 = arith.cmpi slt, %add3A_1416, %lt3A_1417 : i32
    %convert_element_type3A_1419 = arith.extui %lt3A_1418 : i1 to i32
    %cond3A_1420 = arith.constant 0 : i32
    %cond3A_1421 = arith.cmpi ne, %convert_element_type3A_1419, %cond3A_1420 : i32
    scf.if %cond3A_1421 {
      %dma_start3A = tpu.memref_slice %arg4[%mul3A_1395, %multiple_of3A_1414] : memref<200x16384xf32, #tpu.memory_space<hbm>> -> memref<8x1024xf32, #tpu.memory_space<hbm>>
      %dma_start3A_1574 = tpu.memref_slice %arg4[%mul3A_1395, %multiple_of3A_1414] : memref<200x16384xf32, #tpu.memory_space<hbm>> -> memref<8x1024xf32, #tpu.memory_space<hbm>>
      tpu.enqueue_dma source(%arg17 : memref<8x1024xf32, #tpu.memory_space<vmem>>) target(%dma_start3A_1574 : memref<8x1024xf32, #tpu.memory_space<hbm>>) target_semaphore(%arg43 : memref<!tpu.dma_semaphore, #tpu.memory_space<semaphore_mem>>)
    } else {
    }
    %add3A_1422 = arith.constant 384 : i32
    %add3A_1423 = arith.addi %add3A_1422, %add3A : i32
    %lt3A_1424 = arith.constant 400 : i32
    %lt3A_1425 = arith.cmpi slt, %add3A_1423, %lt3A_1424 : i32
    %convert_element_type3A_1426 = arith.extui %lt3A_1425 : i1 to i32
    %cond3A_1427 = arith.constant 0 : i32
    %cond3A_1428 = arith.cmpi ne, %convert_element_type3A_1426, %cond3A_1427 : i32
    scf.if %cond3A_1428 {
      %dma_wait3A = arith.constant 0 : i32
      %dma_wait3A_1574 = arith.constant 0 : i32
      %dma_wait3A_1575 = tpu.memref_slice %arg2[%dma_wait3A, %dma_wait3A_1574] : memref<1000x16384xf32, #tpu.memory_space<hbm>> -> memref<8x1024xf32, #tpu.memory_space<hbm>>
      %dma_wait3A_1576 = arith.constant 0 : i32
      %dma_wait3A_1577 = arith.constant 0 : i32
      %dma_wait3A_1578 = tpu.memref_slice %arg2[%dma_wait3A_1576, %dma_wait3A_1577] : memref<1000x16384xf32, #tpu.memory_space<hbm>> -> memref<8x1024xf32, #tpu.memory_space<hbm>>
      tpu.wait_dma2 semaphore(%arg31 : memref<!tpu.dma_semaphore, #tpu.memory_space<semaphore_mem>>) src(%dma_wait3A_1578 : memref<8x1024xf32, #tpu.memory_space<hbm>>) dst(%arg18 : memref<8x1024xf32, #tpu.memory_space<vmem>>)
    } else {
    }
    %add3A_1429 = arith.constant 384 : i32
    %add3A_1430 = arith.addi %add3A_1429, %add3A : i32
    %jit3A_1431 = arith.constant 16 : i32
    %div3A_1432 = arith.divsi %add3A_1430, %jit3A_1431 : i32
    %sign3A_1433 = arith.constant 0 : i32
    %sign3A_1434 = arith.cmpi sgt, %add3A_1430, %sign3A_1433 : i32
    %sign3A_1435 = arith.extui %sign3A_1434 : i1 to i32
    %sign3A_1436 = arith.constant 0 : i32
    %sign3A_1437 = arith.cmpi slt, %add3A_1430, %sign3A_1436 : i32
    %sign3A_1438 = arith.extui %sign3A_1437 : i1 to i32
    %sign3A_1439 = arith.subi %sign3A_1435, %sign3A_1438 : i32
    %sign3A_1440 = arith.constant 0 : i32
    %sign3A_1441 = arith.cmpi sgt, %jit3A_1431, %sign3A_1440 : i32
    %sign3A_1442 = arith.extui %sign3A_1441 : i1 to i32
    %sign3A_1443 = arith.constant 0 : i32
    %sign3A_1444 = arith.cmpi slt, %jit3A_1431, %sign3A_1443 : i32
    %sign3A_1445 = arith.extui %sign3A_1444 : i1 to i32
    %sign3A_1446 = arith.subi %sign3A_1442, %sign3A_1445 : i32
    %ne3A_1447 = arith.cmpi ne, %sign3A_1439, %sign3A_1446 : i32
    %rem3A_1448 = arith.remsi %add3A_1430, %jit3A_1431 : i32
    %ne3A_1449 = arith.constant 0 : i32
    %ne3A_1450 = arith.cmpi ne, %rem3A_1448, %ne3A_1449 : i32
    %and3A_1451 = arith.andi %ne3A_1447, %ne3A_1450 : i1
    %sub3A_1452 = arith.constant 1 : i32
    %sub3A_1453 = arith.subi %div3A_1432, %sub3A_1452 : i32
    %select_n3A_1454 = arith.select %and3A_1451, %sub3A_1453, %div3A_1432 : i32
    %mul3A_1455 = arith.constant 8 : i32
    %mul3A_1456 = arith.muli %select_n3A_1454, %mul3A_1455 : i32
    %jit3A_1457 = arith.constant 16 : i32
    %eq3A_1458 = arith.constant 0 : i32
    %eq3A_1459 = arith.cmpi eq, %jit3A_1457, %eq3A_1458 : i32
    %jit3A_1460 = arith.constant 1 : i32
    %select_n3A_1461 = arith.select %eq3A_1459, %jit3A_1460, %jit3A_1457 : i32
    %rem3A_1462 = arith.remsi %add3A_1430, %select_n3A_1461 : i32
    %ne3A_1463 = arith.constant 0 : i32
    %ne3A_1464 = arith.cmpi ne, %rem3A_1462, %ne3A_1463 : i32
    %lt3A_1465 = arith.constant 0 : i32
    %lt3A_1466 = arith.cmpi slt, %rem3A_1462, %lt3A_1465 : i32
    %lt3A_1467 = arith.constant 0 : i32
    %lt3A_1468 = arith.cmpi slt, %select_n3A_1461, %lt3A_1467 : i32
    %ne3A_1469 = arith.xori %lt3A_1466, %lt3A_1468 : i1
    %and3A_1470 = arith.andi %ne3A_1469, %ne3A_1464 : i1
    %add3A_1471 = arith.addi %rem3A_1462, %select_n3A_1461 : i32
    %select_n3A_1472 = arith.select %and3A_1470, %add3A_1471, %rem3A_1462 : i32
    %mul3A_1473 = arith.constant 1024 : i32
    %mul3A_1474 = arith.muli %select_n3A_1472, %mul3A_1473 : i32
    %multiple_of3A_1475 = tpu.assume_multiple %mul3A_1474, 1024 : i32
    %add3A_1476 = arith.constant 384 : i32
    %add3A_1477 = arith.addi %add3A_1476, %add3A : i32
    %lt3A_1478 = arith.constant 400 : i32
    %lt3A_1479 = arith.cmpi slt, %add3A_1477, %lt3A_1478 : i32
    %convert_element_type3A_1480 = arith.extui %lt3A_1479 : i1 to i32
    %cond3A_1481 = arith.constant 0 : i32
    %cond3A_1482 = arith.cmpi ne, %convert_element_type3A_1480, %cond3A_1481 : i32
    scf.if %cond3A_1482 {
      %dma_start3A = tpu.memref_slice %arg4[%mul3A_1456, %multiple_of3A_1475] : memref<200x16384xf32, #tpu.memory_space<hbm>> -> memref<8x1024xf32, #tpu.memory_space<hbm>>
      %dma_start3A_1574 = tpu.memref_slice %arg4[%mul3A_1456, %multiple_of3A_1475] : memref<200x16384xf32, #tpu.memory_space<hbm>> -> memref<8x1024xf32, #tpu.memory_space<hbm>>
      tpu.enqueue_dma source(%arg18 : memref<8x1024xf32, #tpu.memory_space<vmem>>) target(%dma_start3A_1574 : memref<8x1024xf32, #tpu.memory_space<hbm>>) target_semaphore(%arg44 : memref<!tpu.dma_semaphore, #tpu.memory_space<semaphore_mem>>)
    } else {
    }
    %add3A_1483 = arith.constant 0 : i32
    %add3A_1484 = arith.addi %add3A_1483, %add3A : i32
    %lt3A_1485 = arith.constant 400 : i32
    %lt3A_1486 = arith.cmpi slt, %add3A_1484, %lt3A_1485 : i32
    %convert_element_type3A_1487 = arith.extui %lt3A_1486 : i1 to i32
    %cond3A_1488 = arith.constant 0 : i32
    %cond3A_1489 = arith.cmpi ne, %convert_element_type3A_1487, %cond3A_1488 : i32
    scf.if %cond3A_1489 {
      %dma_wait3A = arith.constant 0 : i32
      %dma_wait3A_1574 = arith.constant 0 : i32
      %dma_wait3A_1575 = tpu.memref_slice %arg4[%dma_wait3A, %dma_wait3A_1574] : memref<200x16384xf32, #tpu.memory_space<hbm>> -> memref<8x1024xf32, #tpu.memory_space<hbm>>
      %dma_wait3A_1576 = arith.constant 0 : i32
      %dma_wait3A_1577 = arith.constant 0 : i32
      %dma_wait3A_1578 = tpu.memref_slice %arg4[%dma_wait3A_1576, %dma_wait3A_1577] : memref<200x16384xf32, #tpu.memory_space<hbm>> -> memref<8x1024xf32, #tpu.memory_space<hbm>>
      tpu.wait_dma2 semaphore(%arg32 : memref<!tpu.dma_semaphore, #tpu.memory_space<semaphore_mem>>) src(%arg6 : memref<8x1024xf32, #tpu.memory_space<vmem>>) dst(%dma_wait3A_1578 : memref<8x1024xf32, #tpu.memory_space<hbm>>)
    } else {
    }
    %add3A_1490 = arith.constant 32 : i32
    %add3A_1491 = arith.addi %add3A_1490, %add3A : i32
    %lt3A_1492 = arith.constant 400 : i32
    %lt3A_1493 = arith.cmpi slt, %add3A_1491, %lt3A_1492 : i32
    %convert_element_type3A_1494 = arith.extui %lt3A_1493 : i1 to i32
    %cond3A_1495 = arith.constant 0 : i32
    %cond3A_1496 = arith.cmpi ne, %convert_element_type3A_1494, %cond3A_1495 : i32
    scf.if %cond3A_1496 {
      %dma_wait3A = arith.constant 0 : i32
      %dma_wait3A_1574 = arith.constant 0 : i32
      %dma_wait3A_1575 = tpu.memref_slice %arg4[%dma_wait3A, %dma_wait3A_1574] : memref<200x16384xf32, #tpu.memory_space<hbm>> -> memref<8x1024xf32, #tpu.memory_space<hbm>>
      %dma_wait3A_1576 = arith.constant 0 : i32
      %dma_wait3A_1577 = arith.constant 0 : i32
      %dma_wait3A_1578 = tpu.memref_slice %arg4[%dma_wait3A_1576, %dma_wait3A_1577] : memref<200x16384xf32, #tpu.memory_space<hbm>> -> memref<8x1024xf32, #tpu.memory_space<hbm>>
      tpu.wait_dma2 semaphore(%arg33 : memref<!tpu.dma_semaphore, #tpu.memory_space<semaphore_mem>>) src(%arg7 : memref<8x1024xf32, #tpu.memory_space<vmem>>) dst(%dma_wait3A_1578 : memref<8x1024xf32, #tpu.memory_space<hbm>>)
    } else {
    }
    %add3A_1497 = arith.constant 64 : i32
    %add3A_1498 = arith.addi %add3A_1497, %add3A : i32
    %lt3A_1499 = arith.constant 400 : i32
    %lt3A_1500 = arith.cmpi slt, %add3A_1498, %lt3A_1499 : i32
    %convert_element_type3A_1501 = arith.extui %lt3A_1500 : i1 to i32
    %cond3A_1502 = arith.constant 0 : i32
    %cond3A_1503 = arith.cmpi ne, %convert_element_type3A_1501, %cond3A_1502 : i32
    scf.if %cond3A_1503 {
      %dma_wait3A = arith.constant 0 : i32
      %dma_wait3A_1574 = arith.constant 0 : i32
      %dma_wait3A_1575 = tpu.memref_slice %arg4[%dma_wait3A, %dma_wait3A_1574] : memref<200x16384xf32, #tpu.memory_space<hbm>> -> memref<8x1024xf32, #tpu.memory_space<hbm>>
      %dma_wait3A_1576 = arith.constant 0 : i32
      %dma_wait3A_1577 = arith.constant 0 : i32
      %dma_wait3A_1578 = tpu.memref_slice %arg4[%dma_wait3A_1576, %dma_wait3A_1577] : memref<200x16384xf32, #tpu.memory_space<hbm>> -> memref<8x1024xf32, #tpu.memory_space<hbm>>
      tpu.wait_dma2 semaphore(%arg34 : memref<!tpu.dma_semaphore, #tpu.memory_space<semaphore_mem>>) src(%arg8 : memref<8x1024xf32, #tpu.memory_space<vmem>>) dst(%dma_wait3A_1578 : memref<8x1024xf32, #tpu.memory_space<hbm>>)
    } else {
    }
    %add3A_1504 = arith.constant 96 : i32
    %add3A_1505 = arith.addi %add3A_1504, %add3A : i32
    %lt3A_1506 = arith.constant 400 : i32
    %lt3A_1507 = arith.cmpi slt, %add3A_1505, %lt3A_1506 : i32
    %convert_element_type3A_1508 = arith.extui %lt3A_1507 : i1 to i32
    %cond3A_1509 = arith.constant 0 : i32
    %cond3A_1510 = arith.cmpi ne, %convert_element_type3A_1508, %cond3A_1509 : i32
    scf.if %cond3A_1510 {
      %dma_wait3A = arith.constant 0 : i32
      %dma_wait3A_1574 = arith.constant 0 : i32
      %dma_wait3A_1575 = tpu.memref_slice %arg4[%dma_wait3A, %dma_wait3A_1574] : memref<200x16384xf32, #tpu.memory_space<hbm>> -> memref<8x1024xf32, #tpu.memory_space<hbm>>
      %dma_wait3A_1576 = arith.constant 0 : i32
      %dma_wait3A_1577 = arith.constant 0 : i32
      %dma_wait3A_1578 = tpu.memref_slice %arg4[%dma_wait3A_1576, %dma_wait3A_1577] : memref<200x16384xf32, #tpu.memory_space<hbm>> -> memref<8x1024xf32, #tpu.memory_space<hbm>>
      tpu.wait_dma2 semaphore(%arg35 : memref<!tpu.dma_semaphore, #tpu.memory_space<semaphore_mem>>) src(%arg9 : memref<8x1024xf32, #tpu.memory_space<vmem>>) dst(%dma_wait3A_1578 : memref<8x1024xf32, #tpu.memory_space<hbm>>)
    } else {
    }
    %add3A_1511 = arith.constant 128 : i32
    %add3A_1512 = arith.addi %add3A_1511, %add3A : i32
    %lt3A_1513 = arith.constant 400 : i32
    %lt3A_1514 = arith.cmpi slt, %add3A_1512, %lt3A_1513 : i32
    %convert_element_type3A_1515 = arith.extui %lt3A_1514 : i1 to i32
    %cond3A_1516 = arith.constant 0 : i32
    %cond3A_1517 = arith.cmpi ne, %convert_element_type3A_1515, %cond3A_1516 : i32
    scf.if %cond3A_1517 {
      %dma_wait3A = arith.constant 0 : i32
      %dma_wait3A_1574 = arith.constant 0 : i32
      %dma_wait3A_1575 = tpu.memref_slice %arg4[%dma_wait3A, %dma_wait3A_1574] : memref<200x16384xf32, #tpu.memory_space<hbm>> -> memref<8x1024xf32, #tpu.memory_space<hbm>>
      %dma_wait3A_1576 = arith.constant 0 : i32
      %dma_wait3A_1577 = arith.constant 0 : i32
      %dma_wait3A_1578 = tpu.memref_slice %arg4[%dma_wait3A_1576, %dma_wait3A_1577] : memref<200x16384xf32, #tpu.memory_space<hbm>> -> memref<8x1024xf32, #tpu.memory_space<hbm>>
      tpu.wait_dma2 semaphore(%arg36 : memref<!tpu.dma_semaphore, #tpu.memory_space<semaphore_mem>>) src(%arg10 : memref<8x1024xf32, #tpu.memory_space<vmem>>) dst(%dma_wait3A_1578 : memref<8x1024xf32, #tpu.memory_space<hbm>>)
    } else {
    }
    %add3A_1518 = arith.constant 160 : i32
    %add3A_1519 = arith.addi %add3A_1518, %add3A : i32
    %lt3A_1520 = arith.constant 400 : i32
    %lt3A_1521 = arith.cmpi slt, %add3A_1519, %lt3A_1520 : i32
    %convert_element_type3A_1522 = arith.extui %lt3A_1521 : i1 to i32
    %cond3A_1523 = arith.constant 0 : i32
    %cond3A_1524 = arith.cmpi ne, %convert_element_type3A_1522, %cond3A_1523 : i32
    scf.if %cond3A_1524 {
      %dma_wait3A = arith.constant 0 : i32
      %dma_wait3A_1574 = arith.constant 0 : i32
      %dma_wait3A_1575 = tpu.memref_slice %arg4[%dma_wait3A, %dma_wait3A_1574] : memref<200x16384xf32, #tpu.memory_space<hbm>> -> memref<8x1024xf32, #tpu.memory_space<hbm>>
      %dma_wait3A_1576 = arith.constant 0 : i32
      %dma_wait3A_1577 = arith.constant 0 : i32
      %dma_wait3A_1578 = tpu.memref_slice %arg4[%dma_wait3A_1576, %dma_wait3A_1577] : memref<200x16384xf32, #tpu.memory_space<hbm>> -> memref<8x1024xf32, #tpu.memory_space<hbm>>
      tpu.wait_dma2 semaphore(%arg37 : memref<!tpu.dma_semaphore, #tpu.memory_space<semaphore_mem>>) src(%arg11 : memref<8x1024xf32, #tpu.memory_space<vmem>>) dst(%dma_wait3A_1578 : memref<8x1024xf32, #tpu.memory_space<hbm>>)
    } else {
    }
    %add3A_1525 = arith.constant 192 : i32
    %add3A_1526 = arith.addi %add3A_1525, %add3A : i32
    %lt3A_1527 = arith.constant 400 : i32
    %lt3A_1528 = arith.cmpi slt, %add3A_1526, %lt3A_1527 : i32
    %convert_element_type3A_1529 = arith.extui %lt3A_1528 : i1 to i32
    %cond3A_1530 = arith.constant 0 : i32
    %cond3A_1531 = arith.cmpi ne, %convert_element_type3A_1529, %cond3A_1530 : i32
    scf.if %cond3A_1531 {
      %dma_wait3A = arith.constant 0 : i32
      %dma_wait3A_1574 = arith.constant 0 : i32
      %dma_wait3A_1575 = tpu.memref_slice %arg4[%dma_wait3A, %dma_wait3A_1574] : memref<200x16384xf32, #tpu.memory_space<hbm>> -> memref<8x1024xf32, #tpu.memory_space<hbm>>
      %dma_wait3A_1576 = arith.constant 0 : i32
      %dma_wait3A_1577 = arith.constant 0 : i32
      %dma_wait3A_1578 = tpu.memref_slice %arg4[%dma_wait3A_1576, %dma_wait3A_1577] : memref<200x16384xf32, #tpu.memory_space<hbm>> -> memref<8x1024xf32, #tpu.memory_space<hbm>>
      tpu.wait_dma2 semaphore(%arg38 : memref<!tpu.dma_semaphore, #tpu.memory_space<semaphore_mem>>) src(%arg12 : memref<8x1024xf32, #tpu.memory_space<vmem>>) dst(%dma_wait3A_1578 : memref<8x1024xf32, #tpu.memory_space<hbm>>)
    } else {
    }
    %add3A_1532 = arith.constant 224 : i32
    %add3A_1533 = arith.addi %add3A_1532, %add3A : i32
    %lt3A_1534 = arith.constant 400 : i32
    %lt3A_1535 = arith.cmpi slt, %add3A_1533, %lt3A_1534 : i32
    %convert_element_type3A_1536 = arith.extui %lt3A_1535 : i1 to i32
    %cond3A_1537 = arith.constant 0 : i32
    %cond3A_1538 = arith.cmpi ne, %convert_element_type3A_1536, %cond3A_1537 : i32
    scf.if %cond3A_1538 {
      %dma_wait3A = arith.constant 0 : i32
      %dma_wait3A_1574 = arith.constant 0 : i32
      %dma_wait3A_1575 = tpu.memref_slice %arg4[%dma_wait3A, %dma_wait3A_1574] : memref<200x16384xf32, #tpu.memory_space<hbm>> -> memref<8x1024xf32, #tpu.memory_space<hbm>>
      %dma_wait3A_1576 = arith.constant 0 : i32
      %dma_wait3A_1577 = arith.constant 0 : i32
      %dma_wait3A_1578 = tpu.memref_slice %arg4[%dma_wait3A_1576, %dma_wait3A_1577] : memref<200x16384xf32, #tpu.memory_space<hbm>> -> memref<8x1024xf32, #tpu.memory_space<hbm>>
      tpu.wait_dma2 semaphore(%arg39 : memref<!tpu.dma_semaphore, #tpu.memory_space<semaphore_mem>>) src(%arg13 : memref<8x1024xf32, #tpu.memory_space<vmem>>) dst(%dma_wait3A_1578 : memref<8x1024xf32, #tpu.memory_space<hbm>>)
    } else {
    }
    %add3A_1539 = arith.constant 256 : i32
    %add3A_1540 = arith.addi %add3A_1539, %add3A : i32
    %lt3A_1541 = arith.constant 400 : i32
    %lt3A_1542 = arith.cmpi slt, %add3A_1540, %lt3A_1541 : i32
    %convert_element_type3A_1543 = arith.extui %lt3A_1542 : i1 to i32
    %cond3A_1544 = arith.constant 0 : i32
    %cond3A_1545 = arith.cmpi ne, %convert_element_type3A_1543, %cond3A_1544 : i32
    scf.if %cond3A_1545 {
      %dma_wait3A = arith.constant 0 : i32
      %dma_wait3A_1574 = arith.constant 0 : i32
      %dma_wait3A_1575 = tpu.memref_slice %arg4[%dma_wait3A, %dma_wait3A_1574] : memref<200x16384xf32, #tpu.memory_space<hbm>> -> memref<8x1024xf32, #tpu.memory_space<hbm>>
      %dma_wait3A_1576 = arith.constant 0 : i32
      %dma_wait3A_1577 = arith.constant 0 : i32
      %dma_wait3A_1578 = tpu.memref_slice %arg4[%dma_wait3A_1576, %dma_wait3A_1577] : memref<200x16384xf32, #tpu.memory_space<hbm>> -> memref<8x1024xf32, #tpu.memory_space<hbm>>
      tpu.wait_dma2 semaphore(%arg40 : memref<!tpu.dma_semaphore, #tpu.memory_space<semaphore_mem>>) src(%arg14 : memref<8x1024xf32, #tpu.memory_space<vmem>>) dst(%dma_wait3A_1578 : memref<8x1024xf32, #tpu.memory_space<hbm>>)
    } else {
    }
    %add3A_1546 = arith.constant 288 : i32
    %add3A_1547 = arith.addi %add3A_1546, %add3A : i32
    %lt3A_1548 = arith.constant 400 : i32
    %lt3A_1549 = arith.cmpi slt, %add3A_1547, %lt3A_1548 : i32
    %convert_element_type3A_1550 = arith.extui %lt3A_1549 : i1 to i32
    %cond3A_1551 = arith.constant 0 : i32
    %cond3A_1552 = arith.cmpi ne, %convert_element_type3A_1550, %cond3A_1551 : i32
    scf.if %cond3A_1552 {
      %dma_wait3A = arith.constant 0 : i32
      %dma_wait3A_1574 = arith.constant 0 : i32
      %dma_wait3A_1575 = tpu.memref_slice %arg4[%dma_wait3A, %dma_wait3A_1574] : memref<200x16384xf32, #tpu.memory_space<hbm>> -> memref<8x1024xf32, #tpu.memory_space<hbm>>
      %dma_wait3A_1576 = arith.constant 0 : i32
      %dma_wait3A_1577 = arith.constant 0 : i32
      %dma_wait3A_1578 = tpu.memref_slice %arg4[%dma_wait3A_1576, %dma_wait3A_1577] : memref<200x16384xf32, #tpu.memory_space<hbm>> -> memref<8x1024xf32, #tpu.memory_space<hbm>>
      tpu.wait_dma2 semaphore(%arg41 : memref<!tpu.dma_semaphore, #tpu.memory_space<semaphore_mem>>) src(%arg15 : memref<8x1024xf32, #tpu.memory_space<vmem>>) dst(%dma_wait3A_1578 : memref<8x1024xf32, #tpu.memory_space<hbm>>)
    } else {
    }
    %add3A_1553 = arith.constant 320 : i32
    %add3A_1554 = arith.addi %add3A_1553, %add3A : i32
    %lt3A_1555 = arith.constant 400 : i32
    %lt3A_1556 = arith.cmpi slt, %add3A_1554, %lt3A_1555 : i32
    %convert_element_type3A_1557 = arith.extui %lt3A_1556 : i1 to i32
    %cond3A_1558 = arith.constant 0 : i32
    %cond3A_1559 = arith.cmpi ne, %convert_element_type3A_1557, %cond3A_1558 : i32
    scf.if %cond3A_1559 {
      %dma_wait3A = arith.constant 0 : i32
      %dma_wait3A_1574 = arith.constant 0 : i32
      %dma_wait3A_1575 = tpu.memref_slice %arg4[%dma_wait3A, %dma_wait3A_1574] : memref<200x16384xf32, #tpu.memory_space<hbm>> -> memref<8x1024xf32, #tpu.memory_space<hbm>>
      %dma_wait3A_1576 = arith.constant 0 : i32
      %dma_wait3A_1577 = arith.constant 0 : i32
      %dma_wait3A_1578 = tpu.memref_slice %arg4[%dma_wait3A_1576, %dma_wait3A_1577] : memref<200x16384xf32, #tpu.memory_space<hbm>> -> memref<8x1024xf32, #tpu.memory_space<hbm>>
      tpu.wait_dma2 semaphore(%arg42 : memref<!tpu.dma_semaphore, #tpu.memory_space<semaphore_mem>>) src(%arg16 : memref<8x1024xf32, #tpu.memory_space<vmem>>) dst(%dma_wait3A_1578 : memref<8x1024xf32, #tpu.memory_space<hbm>>)
    } else {
    }
    %add3A_1560 = arith.constant 352 : i32
    %add3A_1561 = arith.addi %add3A_1560, %add3A : i32
    %lt3A_1562 = arith.constant 400 : i32
    %lt3A_1563 = arith.cmpi slt, %add3A_1561, %lt3A_1562 : i32
    %convert_element_type3A_1564 = arith.extui %lt3A_1563 : i1 to i32
    %cond3A_1565 = arith.constant 0 : i32
    %cond3A_1566 = arith.cmpi ne, %convert_element_type3A_1564, %cond3A_1565 : i32
    scf.if %cond3A_1566 {
      %dma_wait3A = arith.constant 0 : i32
      %dma_wait3A_1574 = arith.constant 0 : i32
      %dma_wait3A_1575 = tpu.memref_slice %arg4[%dma_wait3A, %dma_wait3A_1574] : memref<200x16384xf32, #tpu.memory_space<hbm>> -> memref<8x1024xf32, #tpu.memory_space<hbm>>
      %dma_wait3A_1576 = arith.constant 0 : i32
      %dma_wait3A_1577 = arith.constant 0 : i32
      %dma_wait3A_1578 = tpu.memref_slice %arg4[%dma_wait3A_1576, %dma_wait3A_1577] : memref<200x16384xf32, #tpu.memory_space<hbm>> -> memref<8x1024xf32, #tpu.memory_space<hbm>>
      tpu.wait_dma2 semaphore(%arg43 : memref<!tpu.dma_semaphore, #tpu.memory_space<semaphore_mem>>) src(%arg17 : memref<8x1024xf32, #tpu.memory_space<vmem>>) dst(%dma_wait3A_1578 : memref<8x1024xf32, #tpu.memory_space<hbm>>)
    } else {
    }
    %add3A_1567 = arith.constant 384 : i32
    %add3A_1568 = arith.addi %add3A_1567, %add3A : i32
    %lt3A_1569 = arith.constant 400 : i32
    %lt3A_1570 = arith.cmpi slt, %add3A_1568, %lt3A_1569 : i32
    %convert_element_type3A_1571 = arith.extui %lt3A_1570 : i1 to i32
    %cond3A_1572 = arith.constant 0 : i32
    %cond3A_1573 = arith.cmpi ne, %convert_element_type3A_1571, %cond3A_1572 : i32
    scf.if %cond3A_1573 {
      %dma_wait3A = arith.constant 0 : i32
      %dma_wait3A_1574 = arith.constant 0 : i32
      %dma_wait3A_1575 = tpu.memref_slice %arg4[%dma_wait3A, %dma_wait3A_1574] : memref<200x16384xf32, #tpu.memory_space<hbm>> -> memref<8x1024xf32, #tpu.memory_space<hbm>>
      %dma_wait3A_1576 = arith.constant 0 : i32
      %dma_wait3A_1577 = arith.constant 0 : i32
      %dma_wait3A_1578 = tpu.memref_slice %arg4[%dma_wait3A_1576, %dma_wait3A_1577] : memref<200x16384xf32, #tpu.memory_space<hbm>> -> memref<8x1024xf32, #tpu.memory_space<hbm>>
      tpu.wait_dma2 semaphore(%arg44 : memref<!tpu.dma_semaphore, #tpu.memory_space<semaphore_mem>>) src(%arg18 : memref<8x1024xf32, #tpu.memory_space<vmem>>) dst(%dma_wait3A_1578 : memref<8x1024xf32, #tpu.memory_space<hbm>>)
    } else {
    }
    return
  }
}

</mosaic_0001>

<sc_bundles>
// kernel: kernel.3.cloned.1.call-start
scs
__scs_entry_jumppad:
0x0: {  	(pc) =	sbr.rel $0x88, $3  }
0x1: {  	(tag) =	ssettag $0x0;
	lr =	simm.s32 $0x1  }
0x2: {  	[smem:$0x3F9F] =	sst lr;
	_ =	strace $0xD0000000  }
0x3: {  	_ = 	snop  }
0x4: {  	_ = 	snop  }
0x5: {  	_ = 	snop  }
0x6: {  	_ = 	snop  }
0x7: {  	_ = 	snop  }
__scs_overlays_trampoline_lowered:
0x8: {  	[smem:$0x3FAE] =	sst s0  }
0x9: {  	[smem:$0x3FAF] =	sst s1  }
0xa: {  	[smem:$0x3FB0] =	sst s2  }
0xb: {  	[smem:$0x3FB1] =	sst s3  }
0xc: {  	[smem:$0x3FB2] =	sst s4  }
0xd: {  	[smem:$0x3FB3] =	sst s5  }
0xe: {  	[smem:$0x3FB4] =	sst s6  }
0xf: {  	[smem:$0x3FB5] =	sst s7  }
0x10: {  	[smem:$0x3FB6] =	sst s8  }
0x11: {  	[smem:$0x3FB7] =	sst s9;
	s0 =	simm.s32 @!p0 $0x0  }
0x12: {  	s1 =	sld [smem:$0x3F9D];
	s0 =	simm.s32 @p0 $0x1  }
0x13: {  	[smem:$0x3FB8] =	sst s0;
	s0 =	simm.s32 @!p1 $0x0  }
0x14: {  	s2 =	sld [smem:$0x3F9C];
	s0 =	simm.s32 @p1 $0x1  }
0x15: {  	[smem:$0x3FB9] =	sst s0;
	s0 =	simm.s32 @!p2 $0x0  }
0x16: {  	s3 =	sld [smem:$0x3FDB];
	s0 =	simm.s32 @p2 $0x1  }
0x17: {  	s4 =	simm.s32 $0x1BF5;
	[smem:$0x3FBB] =	sst s0  }
0x18: {  	s0 =	sld [smem:$0x3F9E];
	_ =	swait.ge [sflag:s4], $0x0  }
0x19: {  	s7 =	sld [smem:$0x3F9F]  }
0x1a: {  	s8 =	sadd.s32 $0xFFFFE003, lr  }
0x1b: {  	s9 =	sadd.s32 $0xFFFFFEF7, lr;
	s5 =	simm.s32 $0xFFFFFFFF;
	p2 =	slt.u32 s8, $0xFFFFF086  }
0x1c: {  	p1 =	slt.u32 s9, $0xF7A;
	s5 =	simm.s32 @!p2 $0x0  }
0x1d: {  	s5 =	simm.s32 @p1 $0x1;
	p0 =	seq.s32 s7, s2  }
0x1e: {  	s7 =	smul.u32 @!p0 $0xF7A, s2;
	p2 =	seq.s32 @!p0 s5, $0x0  }
0x1f: {  	s9 =	smul.u32 $0xF7A, s1;
	s8 =	simm.s32 @!p0 $0x1BF5;
	p2 =	por !p2, p0  }
0x20: {  	[sflag:s8] =	ssyncset.s32 @!p0 $0xFFFFF086;
	s6 =	sadd.s32 @!p0 s3, s7;
	s7 =	simm.s32 @!p0 $0x108  }
0x21: {  	s3 =	sadd.s32 s3, s9;
	s6 =	sadd.s32 @!p0 $0x88, s6;
	s7 =	simm.s32 @p2 $0x1082  }
0x22: {  	[simem:s7], [sflag:s8] =	dma.local @!p0 [hbm:s6], $0xF7A  }
0x23: {  	s9 =	sor.u32 $0xD0000000, s2;
	s6 =	simm.s32 $0x108;
	_ =	swait.ge @!p0 [sflag:s8], $0x0  }
0x24: {  	s3 =	sadd.s32 $0x88, s3;
	s6 =	simm.s32 @!p1 $0x1082;
	[sflag:s4] =	ssyncset.s32 $0xFFFFF086  }
0x25: {  	[simem:s6], [sflag:s4] =	dma.local [hbm:s3], $0xF7A  }
0x26: {  	[smem:$0x3F9F] =	sst s1;
	(tag) =	ssettag s2;
	_ =	strace s9  }
0x27: {  	s1 =	sld [smem:$0x3FAF]  }
0x28: {  	s2 =	sld [smem:$0x3FB0]  }
0x29: {  	s4 =	sld [smem:$0x3FB2]  }
0x2a: {  	p0 =	seq.s32 s5, $0x0;
	s5 =	sld [smem:$0x3FB3]  }
0x2b: {  	s6 =	sld [smem:$0x3FB4]  }
0x2c: {  	s7 =	sld [smem:$0x3FB5]  }
0x2d: {  	s3 =	simm.s32 $0x108;
	s8 =	sld [smem:$0x3FB6]  }
0x2e: {  	s3 =	simm.s32 @!p0 $0x1082;
	s9 =	sld [smem:$0x3FB7]  }
0x2f: {  	lr =	sadd.s32 s0, s3;
	s0 =	sld [smem:$0x3FAE]  }
0x30: {  	s3 =	sld [smem:$0x3FB1]  }
0x31: {  	[smem:$0x3FBA] =	sst s10  }
0x32: {  	s10 =	sld [smem:$0x3FB8];
	_ =	sdelay $0x3  }
0x33: {  	p0 =	seq.s32 s10, $0x1;
	s10 =	sld [smem:$0x3FBA];
	_ =	sdelay $0x3  }
0x34: {  	[smem:$0x3FBA] =	sst s10  }
0x35: {  	s10 =	sld [smem:$0x3FB9];
	_ =	sdelay $0x3  }
0x36: {  	p1 =	seq.s32 s10, $0x1;
	s10 =	sld [smem:$0x3FBA];
	_ =	sdelay $0x3  }
0x37: {  	[smem:$0x3FBA] =	sst s10  }
0x38: {  	s10 =	sld [smem:$0x3FBB]  }
0x39: {  	_ = 	snop;
	(pc) =	sbr.ind lr, $3  }
0x3a: {  	_ = 	snop  }
0x3b: {  	_ = 	snop  }
0x3c: {  	p2 =	seq.s32 s10, $0x1;
	s10 =	sld [smem:$0x3FBA]  }
0x3d: {  	_ =	shalt  }
0x3e: {  	_ =	shalt  }
0x3f: {  	_ =	shalt  }
0x40: {  	_ =	shalt  }
0x41: {  	_ =	shalt  }
0x42: {  	_ =	shalt  }
0x43: {  	_ =	shalt  }
0x44: {  	_ =	shalt  }
0x45: {  	_ =	shalt  }
0x46: {  	_ =	shalt  }
0x47: {  	_ =	shalt  }
0x48: {  	_ =	shalt  }
0x49: {  	_ =	shalt  }
0x4a: {  	_ =	shalt  }
0x4b: {  	_ =	shalt  }
0x4c: {  	_ =	shalt  }
0x4d: {  	_ =	shalt  }
0x4e: {  	_ =	shalt  }
0x4f: {  	_ =	shalt  }
0x50: {  	_ =	shalt  }
0x51: {  	_ =	shalt  }
0x52: {  	_ =	shalt  }
0x53: {  	_ =	shalt  }
0x54: {  	_ =	shalt  }
0x55: {  	_ =	shalt  }
0x56: {  	_ =	shalt  }
0x57: {  	_ =	shalt  }
0x58: {  	_ =	shalt  }
0x59: {  	_ =	shalt  }
0x5a: {  	_ =	shalt  }
0x5b: {  	_ =	shalt  }
0x5c: {  	_ =	shalt  }
0x5d: {  	_ =	shalt  }
0x5e: {  	_ =	shalt  }
0x5f: {  	_ =	shalt  }
0x60: {  	_ =	shalt  }
0x61: {  	_ =	shalt  }
0x62: {  	_ =	shalt  }
0x63: {  	_ =	shalt  }
0x64: {  	_ =	shalt  }
0x65: {  	_ =	shalt  }
0x66: {  	_ =	shalt  }
0x67: {  	_ =	shalt  }
0x68: {  	_ =	shalt  }
0x69: {  	_ =	shalt  }
0x6a: {  	_ =	shalt  }
0x6b: {  	_ =	shalt  }
0x6c: {  	_ =	shalt  }
0x6d: {  	_ =	shalt  }
0x6e: {  	_ =	shalt  }
0x6f: {  	_ =	shalt  }
0x70: {  	_ =	shalt  }
0x71: {  	_ =	shalt  }
0x72: {  	_ =	shalt  }
0x73: {  	_ =	shalt  }
0x74: {  	_ =	shalt  }
0x75: {  	_ =	shalt  }
0x76: {  	_ =	shalt  }
0x77: {  	_ =	shalt  }
0x78: {  	_ =	shalt  }
0x79: {  	_ =	shalt  }
0x7a: {  	_ =	shalt  }
0x7b: {  	_ =	shalt  }
0x7c: {  	_ =	shalt  }
0x7d: {  	_ =	shalt  }
0x7e: {  	_ =	shalt  }
0x7f: {  	_ =	shalt  }
0x80: {  	_ =	shalt  }
0x81: {  	_ =	shalt  }
0x82: {  	_ =	shalt  }
0x83: {  	_ =	shalt  }
0x84: {  	_ =	shalt  }
0x85: {  	_ =	shalt  }
0x86: {  	_ =	shalt  }
0x87: {  	_ =	shalt  }
.Lfunc_end0:
.L_simem_size_0:
called_computation_lowered:
.L_overlay_start_0:
0x88: {  	s2 =	sld [smem:$0x3FD9]  }
0x89: {  	s3 =	sld [smem:$0x3FFE];
	_ =	sdelay $0x1  }
0x8a: {  	s1 =	srdreg.scid  }
0x8b: {  	s0 =	sand.u32 $0x1, s1  }
0x8c: {  	s18 =	sshll.u32 s0, $0xA;
	s2 =	sadd.s32 s3, s2  }
0x8d: {  	s2 =	sadd.s32 s2, s18  }
0x8e: {  	[smem:$0x3FC6] =	sst s2  }
0x8f: {  	_ = 	snop  }
0x90: {  	s2 =	sld [smem:$0x3FC9]  }
0x91: {  	s19 =	sld [smem:$0x3FC8]  }
0x92: {  	s4 =	sld [smem:$0x3FD0];
	(tm) =	ssettm $0x1  }
0x93: {  	s5 =	sld [smem:$0x3FFB];
	_ =	sdelay $0x3  }
0x94: {  	_ =	strace s5  }
0x95: {  	s5 =	sld [smem:$0x3FFC];
	_ =	sdelay $0x3  }
0x96: {  	_ =	strace s5  }
0x97: {  	s5 =	sld [smem:$0x3FFD];
	_ =	sdelay $0x3  }
0x98: {  	_ =	strace s5  }
0x99: {  	_ =	strace $0x8FFFFFFF  }
0x9a: {  	s20 =	sld [smem:$0x3FDB];
	_ =	sdelay $0x1  }
0x9b: {  	s6 =	simm.s32 $_scs_section_size  }
0x9c: {  	s7 =	simm.s32 $_size__tile_overlayer_lowered;
	s8 =	simm.s32 $_tile_overlayer_lowered  }
0x9d: {  	s23 =	simm.s32 $0x1BFF;
	s22 =	sshll.u32 s8, $0x1;
	s5 =	sadd.s32 s6, s20  }
0x9e: {  	s9 =	simm.s32 $0x0;
	s21 =	sshll.u32 s7, $0x1;
	s7 =	sadd.s32 s22, s5  }
0x9f: {  	[timem:s9], [sflag:s23] =	dma.local [hbm:s7], s21  }
0xa0: {  	_ =	swait.ge [sflag:s23], s21  }
0xa1: {  	s6 =	ssub.s32 $0x0, s21;
	[sflag:s23] =	ssyncset.done $0x0  }
0xa2: {  	[sflag:s23] =	ssyncadd.s32 s6;
	_ =	sdelay $0x1  }
0xa3: {  	s24 =	simm.s32 $0x1B8B  }
0xa4: {  	_ =	swait.ge [sflag:s24], $0x1  }
0xa5: {  	[sflag:s24] =	ssyncset.done $0x0  }
0xa6: {  	s25 =	simm.s32 $0x1B8E;
	[sflag:s24] =	ssyncadd.s32 $0xFFFFFFFF  }
0xa7: {  	s26 =	simm.s32 $execute0_lowered;
	[smem:$0x3FD2] =	sst s25  }
0xa8: {  	s6 =	sshll.u32 s26, $0x1;
	_ =	strace $0x80000046;
	[dreg:$0x1] =	wrdreg $0xFFFFFFFF  }
0xa9: {  	s28 =	simm.s32 $_size_execute0_lowered;
	s5 =	sadd.s32 s5, s6;
	[dreg:$0x0] =	wrdreg $0x0  }
0xaa: {  	s6 =	sshll.u32 s28, $0x1;
	[dreg:$0x2] =	wrdreg s5  }
0xab: {  	[dreg:$0x3] =	wrdreg s6  }
0xac: {  	[dreg:$0x4] =	wrdreg $0xC0  }
0xad: {  	_ =	task [dreg:s9], $0x5FFFF  }
0xae: {  	[dreg:$0x1] =	wrdreg $0xFFFFFFFF  }
0xaf: {  	[dreg:$0x0] =	wrdreg $0x60  }
0xb0: {  	[dreg:$0x2] =	wrdreg s2  }
0xb1: {  	[dreg:$0x3] =	wrdreg s19  }
0xb2: {  	[dreg:$0x4] =	wrdreg s4  }
0xb3: {  	[dreg:$0x5] =	wrdreg $0x9  }
0xb4: {  	_ =	task.clear_ibuf [dreg:s9], $0x6FFFF;
	_ =	strace $0x90000046  }
0xb5: {  	s29 =	simm.s32 $0x9;
	_ =	strace $0x80000048  }
0xb6: {  	_ =	swait.ge [sflag:s29], $0x1  }
0xb7: {  	[sflag:s29] =	ssyncadd.s32 $0xFFFFFFFF  }
0xb8: {  	_ =	strace $0x90000048  }
0xb9: {  	_ =	sfence  }
0xba: {  	s30 =	sld [smem:$0x0];
	_ =	sdelay $0x2  }
0xbb: {  	s31 =	sshll.u32 s1, $0xD;
	s1 =	sshrl.u32 s1, $0x2  }
0xbc: {  	s3 =	sand.u32 $0x4000, s31;
	s1 =	sadd.s32 s1, s30  }
0xbd: {  	s0 =	sor.u32 s3, s0;
	s1 =	sshll.u32 s1, $0x11  }
0xbe: {  	s0 =	sor.u32 s1, s0  }
0xbf: {  	s0 =	sadd.s32 $0x8F2B, s0  }
0xc0: {  	[sflag:s0] =	ssyncadd.remote.s32 $0x1  }
0xc1: {  	_ =	sfence.sel $0xFFFF  }
0xc2: {  	[dreg:$0x0] =	wrdreg $0xFFFFFFFF;
	(pc) =	sbr.abs _section_cstart, $3  }
0xc3: {  	[dreg:$0x1] =	wrdreg $0xFFFFFFFF  }
0xc4: {  	_ =	task.clear_ibuf [dreg:s9], $0x2FFFF;
	_ =	strace $0x9FFFFFFF  }
0xc5: {  	(tm) =	ssettm $0x7FFFFFFF  }
tec
execute0_lowered:
.L_overlay_start_1:
0x0: {  	(tag) =	ssettag $0x1  }
0x1: {  	s0 =	rddreg [dreg:$0x0]  }
0x2: {  	s1 =	rddreg [dreg:$0x1]  }
0x3: {  	s4 =	rddreg [dreg:$0x2];
	s13 =	srdreg.scid  }
0x4: {  	s2 =	simm.s32 $0x0;
	s19 =	stileid.u32;
	[dreg:$0x4] =	wrdreg s1  }
0x5: {  	[smem:$0x7FF] =	sst s2;
	s1 =	sand.u32 $0x1, s13;
	s3 =	sshrl.u32 s19, $0x3  }
0x6: {  	s5 =	sshll.u32 s19, $0xB;
	s14 =	sand.u32 $0x8, s19;
	p0 =	sgt.u32 s19, $0x7  }
0x7: {  	s19 =	simm.s32 $0x13100;
	_ =	strace $0x80000047;
	s6 =	sshll.u32 s1, $0xA  }
0x8: {  	s7 =	sor.u32 $0x2, s3;
	[dreg:$0x5] =	wrdreg s14;
	s8 =	sor.u32 $0x4, s3  }
0x9: {  	s9 =	sor.u32 $0x6, s3;
	[smem:$0x7F6] =	sst s19;
	s15 =	sshll.u32 s7, $0x3  }
0xa: {  	s10 =	sor.u32 $0x8, s3;
	s16 =	sshll.u32 s8, $0x3;
	[dreg:$0x6] =	wrdreg s15  }
0xb: {  	s11 =	sor.u32 $0xA, s3;
	s17 =	sshll.u32 s9, $0x3;
	[dreg:$0x7] =	wrdreg s16  }
0xc: {  	s12 =	sor.u32 $0xC, s3;
	s18 =	sshll.u32 s10, $0x3;
	[dreg:$0x8] =	wrdreg s17  }
0xd: {  	s13 =	sor.u32 $0xE, s3;
	s20 =	sshll.u32 s11, $0x3;
	[dreg:$0x9] =	wrdreg s18  }
0xe: {  	s14 =	sor.u32 $0x10, s3;
	s21 =	sshll.u32 s12, $0x3;
	[dreg:$0xa] =	wrdreg s20  }
0xf: {  	s5 =	sor.u32 s6, s5;
	s22 =	sshll.u32 s13, $0x3;
	[dreg:$0xb] =	wrdreg s21  }
0x10: {  	s23 =	sshll.u32 s14, $0x3;
	[dreg:$0xc] =	wrdreg s22;
	s15 =	sor.u32 $0x12, s3  }
0x11: {  	[dreg:$0xd] =	wrdreg s23;
	s16 =	sor.u32 $0x14, s3;
	s17 =	sor.u32 $0x16, s3  }
0x12: {  	s18 =	sshll.u32 s3, $0xE;
	s3 =	sand.u32 $0x3C00, s5;
	s24 =	sshll.u32 s15, $0x3  }
0x13: {  	s25 =	sshll.u32 s16, $0x3;
	s26 =	sshll.u32 s17, $0x3;
	[dreg:$0xe] =	wrdreg s24  }
0x14: {  	s20 =	sadd.s32 s4, s18;
	s18 =	sadd.s32 s4, s3;
	[dreg:$0xf] =	wrdreg s25  }
0x15: {  	s4 =	sadd.s32 s5, s4;
	s5 =	simm.s32 $0xA900;
	[dreg:$0x10] =	wrdreg s26  }
0x16: {  	s7 =	sshll.u32 s7, $0xE;
	s6 =	sadd.s32 s3, s20;
	[smem:$0x7E9] =	sst s5  }
0x17: {  	s22 =	sshll.u32 s8, $0xE;
	s21 =	sadd.s32 s7, s18;
	[dreg:$0x11] =	wrdreg s6  }
0x18: {  	s23 =	sadd.s32 s22, s18;
	[dreg:$0x12] =	wrdreg s21  }
0x19: {  	s4 =	sadd.s32 $0x60000, s4;
	[dreg:$0x13] =	wrdreg s23  }
0x1a: {  	s20 =	sshll.u32 s13, $0xE;
	s13 =	simm.s32 $0x1900;
	[dreg:$0x1d] =	wrdreg s4  }
0x1b: {  	s22 =	sshll.u32 s14, $0xE;
	s14 =	simm.s32 $0x2900;
	[smem:$0x7DC] =	sst s13  }
0x1c: {  	s24 =	sshll.u32 s9, $0xE;
	s7 =	simm.s32 $0xB900;
	[smem:$0x7DD] =	sst s14  }
0x1d: {  	s26 =	sshll.u32 s10, $0xE;
	s25 =	sadd.s32 s24, s18;
	[smem:$0x7EB] =	sst s7  }
0x1e: {  	s9 =	sshll.u32 s11, $0xE;
	s8 =	sadd.s32 s26, s18;
	[dreg:$0x14] =	wrdreg s25  }
0x1f: {  	s11 =	sshll.u32 s12, $0xE;
	s10 =	sadd.s32 s9, s18;
	[dreg:$0x15] =	wrdreg s8  }
0x20: {  	s12 =	sadd.s32 s11, s18;
	[dreg:$0x16] =	wrdreg s10  }
0x21: {  	s21 =	sadd.s32 s20, s18;
	[dreg:$0x17] =	wrdreg s12  }
0x22: {  	s23 =	sadd.s32 s22, s18;
	[dreg:$0x18] =	wrdreg s21  }
0x23: {  	s11 =	simm.s32 $0x900;
	[dreg:$0x19] =	wrdreg s23  }
0x24: {  	s24 =	sshll.u32 s15, $0xE;
	s15 =	simm.s32 $0x3100;
	[dreg:$0x1e] =	wrdreg s11  }
0x25: {  	s26 =	sshll.u32 s16, $0xE;
	s16 =	simm.s32 $0x3900;
	[smem:$0x7DE] =	sst s15  }
0x26: {  	s9 =	sshll.u32 s17, $0xE;
	s17 =	simm.s32 $0x4900;
	[smem:$0x7DF] =	sst s16  }
0x27: {  	s20 =	simm.s32 $0x5900;
	[smem:$0x7E0] =	sst s17  }
0x28: {  	s22 =	simm.s32 $0x7100;
	[smem:$0x7E2] =	sst s20  }
0x29: {  	s6 =	simm.s32 $0xB100;
	[smem:$0x7E4] =	sst s22  }
0x2a: {  	s13 =	simm.s32 $0xF100;
	[smem:$0x7EA] =	sst s6  }
0x2b: {  	s14 =	simm.s32 $0xF900;
	[smem:$0x7F0] =	sst s13  }
0x2c: {  	s25 =	sadd.s32 s24, s18;
	[smem:$0x7F1] =	sst s14  }
0x2d: {  	s8 =	sadd.s32 s26, s18;
	[dreg:$0x1a] =	wrdreg s25  }
0x2e: {  	s10 =	sadd.s32 s9, s18;
	[dreg:$0x1b] =	wrdreg s8  }
0x2f: {  	s12 =	simm.s32 $0x1100;
	[dreg:$0x1c] =	wrdreg s10  }
0x30: {  	s18 =	simm.s32 $0x5100;
	[dreg:$0x1f] =	wrdreg s12  }
0x31: {  	s21 =	simm.s32 $0x6900;
	[smem:$0x7E1] =	sst s18  }
0x32: {  	s23 =	simm.s32 $0x7900;
	[smem:$0x7E3] =	sst s21  }
0x33: {  	s28 =	simm.s32 $0xE100;
	s24 =	simm.s32 $0x8900;
	[smem:$0x7E5] =	sst s23  }
0x34: {  	s29 =	simm.s32 $0x10100;
	s26 =	simm.s32 $0x9900;
	[smem:$0x7E6] =	sst s24  }
0x35: {  	s30 =	simm.s32 $0x12100;
	s9 =	simm.s32 $0xD100;
	[smem:$0x7E8] =	sst s26  }
0x36: {  	s31 =	simm.s32 $0x14100;
	s11 =	simm.s32 $0xD900;
	[smem:$0x7ED] =	sst s9  }
0x37: {  	s1 =	ssub.s32 $0x2, s1;
	s15 =	simm.s32 $0x10900;
	[smem:$0x7EE] =	sst s11  }
0x38: {  	s3 =	sadd.s32 s0, s3;
	s16 =	simm.s32 $0x11100;
	[smem:$0x7F2] =	sst s15  }
0x39: {  	s7 =	simm.s32 $0x12;
	s17 =	simm.s32 $0x11900;
	[smem:$0x7F3] =	sst s16  }
0x3a: {  	s20 =	simm.s32 $0x13900;
	s22 =	simm.s32 $0x15100;
	[smem:$0x7F4] =	sst s17  }
0x3b: {  	s6 =	simm.s32 $0x11;
	s13 =	simm.s32 $0x18;
	[smem:$0x7F7] =	sst s20  }
0x3c: {  	s14 =	simm.s32 $0x19;
	s25 =	simm.s32 $0x9100;
	[smem:$0x7F9] =	sst s22  }
0x3d: {  	s8 =	simm.s32 $0xC900;
	s10 =	sshrl.u32 s1, $0x1;
	[smem:$0x7E7] =	sst s25  }
0x3e: {  	s12 =	simm.s32 $0xE900;
	s18 =	simm.s32 $0x12900;
	[smem:$0x7EC] =	sst s8  }
0x3f: {  	s21 =	simm.s32 $0x14900;
	s23 =	simm.s32 $0x15900;
	[smem:$0x7EF] =	sst s12  }
0x40: {  	s24 =	simm.s32 $0x16900;
	s26 =	simm.s32 $0x17900;
	[smem:$0x7F5] =	sst s18  }
0x41: {  	s9 =	simm.s32 $0x14;
	s11 =	simm.s32 $0x16;
	[smem:$0x7F8] =	sst s21  }
0x42: {  	s20 =	simm.s32 $0x100;
	s22 =	simm.s32 $0x4100;
	[smem:$0x7FA] =	sst s23  }
0x43: {  	s1 =	ssub.s32 s1, s10;
	[smem:$0x7FB] =	sst s24;
	s25 =	simm.s32 $0x17100  }
0x44: {  	[smem:$0x7FD] =	sst s26;
	s8 =	simm.s32 $0x13;
	s10 =	simm.s32 $0x15  }
0x45: {  	v1 =	vlaneseq.u32;
	s12 =	simm.s32 $0x17;
	s21 =	simm.s32 $0x2100;
	s23 =	simm.s32 $0x6100  }
0x46: {  	v0 =	vand.u32 $0x7, v1;
	v1 =	vshrl.u32 v1, $0x3;
	s24 =	simm.s32 $0x8100;
	s26 =	simm.s32 $0xC100;
	s4 =	smax.u32 s1, $0x1  }
0x47: {  	vm0 =	vmmov $0xffff;
	v1 =	vmul.u32 $0x8, v1;
	vm1 =	vmmov @!p0 $0xffff;
	[smem:$0x7FC] =	sst s25;
	s1 =	simm.s32 $0x10;
	s25 =	simm.s32 $0xA100  }
.LBB2_1:
0x48: {  	s5 =	rddreg [dreg:$0x4];
	s15 =	simm.s32 $0x1B  }
0x49: {  	[tilespmem:s2], [sflag:$0x1B] =	stream.linear.gather [hbm4b:s5+s2], $0xC8, $0x38;
	[tilespmem:$0x1A100] =	vst v63  }
0x4a: {  	_ =	swait.ge [sflag:s15], $0xC8  }
0x4b: {  	[sflag:s15] =	ssyncset.done $0x0  }
0x4c: {  	s18 =	rddreg [dreg:$0x5];
	[sflag:s15] =	ssyncadd.s32 $0xFFFFFF38  }
0x4d: {  	v2 =	vld.msk [tilespmem:s18+$0x0], $0xff;
	_ =	sdelay $0x4  }
0x4e: {  	v3 =	vshll.u32 v2, $0x7  }
0x4f: {  	v2 =	vand.u32 $0x7, v2;
	v3 =	vand.u32 $0xFFFFFC00, v3  }
0x50: {  	v2 =	vor.u32 v2, v3  }
0x51: {  	v2 =	vperm.xlane v2, v0;
	_ =	sdelay $0x1  }
0x52: {  	v2 =	vadd.s32 v1, v2;
	_ =	sdelay $0x3  }
0x53: {  	s19 =	rddreg [dreg:$0x1e]  }
0x54: {  	[tilespmem:s20], [sflag:$0x1] =	stream.indirect_vreg.gather [hbm4b:s3+s2], $0x80, v2, vm0, $0xb8;
	[tilespmem:$0x1A100] =	vst v63  }
0x55: {  	s17 =	rddreg [dreg:$0x1f];
	s15 =	sadd.s32 $0x100, s3  }
0x56: {  	[tilespmem:s19], [sflag:$0x1] =	stream.indirect_vreg.gather [hbm4b:s15+s2], $0x80, v2, vm0, $0xb8;
	[tilespmem:$0x1A100] =	vst v63  }
0x57: {  	s16 =	sadd.s32 $0x200, s3;
	s0 =	sld [smem:$0x7DC]  }
0x58: {  	[tilespmem:s17], [sflag:$0x1] =	stream.indirect_vreg.gather [hbm4b:s16+s2], $0x80, v2, vm0, $0xb8;
	[tilespmem:$0x1A100] =	vst v63  }
0x59: {  	s18 =	rddreg [dreg:$0x6];
	s17 =	sadd.s32 $0x300, s3  }
0x5a: {  	[tilespmem:s0], [sflag:$0x1] =	stream.indirect_vreg.gather [hbm4b:s17+s2], $0x80, v2, vm0, $0xb8;
	[tilespmem:$0x1A100] =	vst v63  }
0x5b: {  	v2 =	vld.msk [tilespmem:s18+$0x0], $0xff;
	_ =	sdelay $0x4  }
0x5c: {  	v3 =	vshll.u32 v2, $0x7  }
0x5d: {  	v2 =	vand.u32 $0x7, v2;
	v3 =	vand.u32 $0xFFFFFC00, v3  }
0x5e: {  	v2 =	vor.u32 v2, v3  }
0x5f: {  	v2 =	vperm.xlane v2, v0;
	_ =	sdelay $0x1  }
0x60: {  	v2 =	vadd.s32 v1, v2;
	_ =	sdelay $0x3  }
0x61: {  	s19 =	sld [smem:$0x7DD]  }
0x62: {  	[tilespmem:s21], [sflag:$0x2] =	stream.indirect_vreg.gather [hbm4b:s3+s2], $0x80, v2, vm0, $0xb8;
	[tilespmem:$0x1A100] =	vst v63  }
0x63: {  	s0 =	sld [smem:$0x7DE]  }
0x64: {  	[tilespmem:s19], [sflag:$0x2] =	stream.indirect_vreg.gather [hbm4b:s15+s2], $0x80, v2, vm0, $0xb8;
	[tilespmem:$0x1A100] =	vst v63  }
0x65: {  	s19 =	sld [smem:$0x7DF]  }
0x66: {  	[tilespmem:s0], [sflag:$0x2] =	stream.indirect_vreg.gather [hbm4b:s16+s2], $0x80, v2, vm0, $0xb8;
	[tilespmem:$0x1A100] =	vst v63  }
0x67: {  	s0 =	rddreg [dreg:$0x7]  }
0x68: {  	[tilespmem:s19], [sflag:$0x2] =	stream.indirect_vreg.gather [hbm4b:s17+s2], $0x80, v2, vm0, $0xb8;
	[tilespmem:$0x1A100] =	vst v63  }
0x69: {  	v2 =	vld.msk [tilespmem:s0+$0x0], $0xff;
	_ =	sdelay $0x4  }
0x6a: {  	v3 =	vshll.u32 v2, $0x7  }
0x6b: {  	v2 =	vand.u32 $0x7, v2;
	v3 =	vand.u32 $0xFFFFFC00, v3  }
0x6c: {  	v2 =	vor.u32 v2, v3  }
0x6d: {  	v2 =	vperm.xlane v2, v0;
	_ =	sdelay $0x1  }
0x6e: {  	v2 =	vadd.s32 v1, v2;
	_ =	sdelay $0x3  }
0x6f: {  	s19 =	sld [smem:$0x7E0]  }
0x70: {  	[tilespmem:s22], [sflag:$0x3] =	stream.indirect_vreg.gather [hbm4b:s3+s2], $0x80, v2, vm0, $0xb8;
	[tilespmem:$0x1A100] =	vst v63  }
0x71: {  	s0 =	sld [smem:$0x7E1]  }
0x72: {  	[tilespmem:s19], [sflag:$0x3] =	stream.indirect_vreg.gather [hbm4b:s15+s2], $0x80, v2, vm0, $0xb8;
	[tilespmem:$0x1A100] =	vst v63  }
0x73: {  	s19 =	sld [smem:$0x7E2]  }
0x74: {  	[tilespmem:s0], [sflag:$0x3] =	stream.indirect_vreg.gather [hbm4b:s16+s2], $0x80, v2, vm0, $0xb8;
	[tilespmem:$0x1A100] =	vst v63  }
0x75: {  	s0 =	rddreg [dreg:$0x8]  }
0x76: {  	[tilespmem:s19], [sflag:$0x3] =	stream.indirect_vreg.gather [hbm4b:s17+s2], $0x80, v2, vm0, $0xb8;
	[tilespmem:$0x1A100] =	vst v63  }
0x77: {  	v2 =	vld.msk [tilespmem:s0+$0x0], $0xff;
	_ =	sdelay $0x4  }
0x78: {  	v3 =	vshll.u32 v2, $0x7  }
0x79: {  	v2 =	vand.u32 $0x7, v2;
	v3 =	vand.u32 $0xFFFFFC00, v3  }
0x7a: {  	v2 =	vor.u32 v2, v3  }
0x7b: {  	v2 =	vperm.xlane v2, v0;
	_ =	sdelay $0x1  }
0x7c: {  	v2 =	vadd.s32 v1, v2;
	_ =	sdelay $0x3  }
0x7d: {  	s19 =	sld [smem:$0x7E3]  }
0x7e: {  	[tilespmem:s23], [sflag:$0x4] =	stream.indirect_vreg.gather [hbm4b:s3+s2], $0x80, v2, vm0, $0xb8;
	[tilespmem:$0x1A100] =	vst v63  }
0x7f: {  	s0 =	sld [smem:$0x7E4]  }
0x80: {  	[tilespmem:s19], [sflag:$0x4] =	stream.indirect_vreg.gather [hbm4b:s15+s2], $0x80, v2, vm0, $0xb8;
	[tilespmem:$0x1A100] =	vst v63  }
0x81: {  	s19 =	sld [smem:$0x7E5]  }
0x82: {  	[tilespmem:s0], [sflag:$0x4] =	stream.indirect_vreg.gather [hbm4b:s16+s2], $0x80, v2, vm0, $0xb8;
	[tilespmem:$0x1A100] =	vst v63  }
0x83: {  	s0 =	rddreg [dreg:$0x9]  }
0x84: {  	[tilespmem:s19], [sflag:$0x4] =	stream.indirect_vreg.gather [hbm4b:s17+s2], $0x80, v2, vm0, $0xb8;
	[tilespmem:$0x1A100] =	vst v63  }
0x85: {  	v2 =	vld.msk [tilespmem:s0+$0x0], $0xff;
	_ =	sdelay $0x4  }
0x86: {  	v3 =	vshll.u32 v2, $0x7  }
0x87: {  	v2 =	vand.u32 $0x7, v2;
	v3 =	vand.u32 $0xFFFFFC00, v3  }
0x88: {  	v2 =	vor.u32 v2, v3  }
0x89: {  	v2 =	vperm.xlane v2, v0;
	_ =	sdelay $0x1  }
0x8a: {  	v2 =	vadd.s32 v1, v2;
	_ =	sdelay $0x3  }
0x8b: {  	s19 =	sld [smem:$0x7E6]  }
0x8c: {  	[tilespmem:s24], [sflag:$0x5] =	stream.indirect_vreg.gather [hbm4b:s3+s2], $0x80, v2, vm0, $0xb8;
	[tilespmem:$0x1A100] =	vst v63  }
0x8d: {  	s0 =	sld [smem:$0x7E7]  }
0x8e: {  	[tilespmem:s19], [sflag:$0x5] =	stream.indirect_vreg.gather [hbm4b:s15+s2], $0x80, v2, vm0, $0xb8;
	[tilespmem:$0x1A100] =	vst v63  }
0x8f: {  	s19 =	sld [smem:$0x7E8]  }
0x90: {  	[tilespmem:s0], [sflag:$0x5] =	stream.indirect_vreg.gather [hbm4b:s16+s2], $0x80, v2, vm0, $0xb8;
	[tilespmem:$0x1A100] =	vst v63  }
0x91: {  	s0 =	rddreg [dreg:$0xa]  }
0x92: {  	[tilespmem:s19], [sflag:$0x5] =	stream.indirect_vreg.gather [hbm4b:s17+s2], $0x80, v2, vm0, $0xb8;
	[tilespmem:$0x1A100] =	vst v63  }
0x93: {  	v2 =	vld.msk [tilespmem:s0+$0x0], $0xff;
	_ =	sdelay $0x4  }
0x94: {  	v3 =	vshll.u32 v2, $0x7  }
0x95: {  	v2 =	vand.u32 $0x7, v2;
	v3 =	vand.u32 $0xFFFFFC00, v3  }
0x96: {  	v2 =	vor.u32 v2, v3  }
0x97: {  	v2 =	vperm.xlane v2, v0;
	_ =	sdelay $0x1  }
0x98: {  	v2 =	vadd.s32 v1, v2;
	_ =	sdelay $0x3  }
0x99: {  	s19 =	sld [smem:$0x7E9]  }
0x9a: {  	[tilespmem:s25], [sflag:$0x6] =	stream.indirect_vreg.gather [hbm4b:s3+s2], $0x80, v2, vm0, $0xb8;
	[tilespmem:$0x1A100] =	vst v63  }
0x9b: {  	s0 =	sld [smem:$0x7EA]  }
0x9c: {  	[tilespmem:s19], [sflag:$0x6] =	stream.indirect_vreg.gather [hbm4b:s15+s2], $0x80, v2, vm0, $0xb8;
	[tilespmem:$0x1A100] =	vst v63  }
0x9d: {  	s19 =	sld [smem:$0x7EB]  }
0x9e: {  	[tilespmem:s0], [sflag:$0x6] =	stream.indirect_vreg.gather [hbm4b:s16+s2], $0x80, v2, vm0, $0xb8;
	[tilespmem:$0x1A100] =	vst v63  }
0x9f: {  	s0 =	rddreg [dreg:$0xb]  }
0xa0: {  	[tilespmem:s19], [sflag:$0x6] =	stream.indirect_vreg.gather [hbm4b:s17+s2], $0x80, v2, vm0, $0xb8;
	[tilespmem:$0x1A100] =	vst v63  }
0xa1: {  	v2 =	vld.msk [tilespmem:s0+$0x0], $0xff;
	_ =	sdelay $0x4  }
0xa2: {  	v3 =	vshll.u32 v2, $0x7  }
0xa3: {  	v2 =	vand.u32 $0x7, v2;
	v3 =	vand.u32 $0xFFFFFC00, v3  }
0xa4: {  	v2 =	vor.u32 v2, v3  }
0xa5: {  	v2 =	vperm.xlane v2, v0;
	_ =	sdelay $0x1  }
0xa6: {  	v2 =	vadd.s32 v1, v2;
	_ =	sdelay $0x3  }
0xa7: {  	s19 =	sld [smem:$0x7EC]  }
0xa8: {  	[tilespmem:s26], [sflag:$0x7] =	stream.indirect_vreg.gather [hbm4b:s3+s2], $0x80, v2, vm0, $0xb8;
	[tilespmem:$0x1A100] =	vst v63  }
0xa9: {  	s0 =	sld [smem:$0x7ED]  }
0xaa: {  	[tilespmem:s19], [sflag:$0x7] =	stream.indirect_vreg.gather [hbm4b:s15+s2], $0x80, v2, vm0, $0xb8;
	[tilespmem:$0x1A100] =	vst v63  }
0xab: {  	s19 =	sld [smem:$0x7EE]  }
0xac: {  	[tilespmem:s0], [sflag:$0x7] =	stream.indirect_vreg.gather [hbm4b:s16+s2], $0x80, v2, vm0, $0xb8;
	[tilespmem:$0x1A100] =	vst v63  }
0xad: {  	s0 =	rddreg [dreg:$0xc]  }
0xae: {  	[tilespmem:s19], [sflag:$0x7] =	stream.indirect_vreg.gather [hbm4b:s17+s2], $0x80, v2, vm0, $0xb8;
	[tilespmem:$0x1A100] =	vst v63  }
0xaf: {  	v2 =	vld.msk [tilespmem:s0+$0x0], $0xff;
	_ =	sdelay $0x4  }
0xb0: {  	v3 =	vshll.u32 v2, $0x7  }
0xb1: {  	v2 =	vand.u32 $0x7, v2;
	v3 =	vand.u32 $0xFFFFFC00, v3  }
0xb2: {  	v2 =	vor.u32 v2, v3  }
0xb3: {  	v2 =	vperm.xlane v2, v0;
	_ =	sdelay $0x1  }
0xb4: {  	v2 =	vadd.s32 v1, v2;
	_ =	sdelay $0x3  }
0xb5: {  	s19 =	sld [smem:$0x7EF]  }
0xb6: {  	[tilespmem:s28], [sflag:$0x8] =	stream.indirect_vreg.gather [hbm4b:s3+s2], $0x80, v2, vm0, $0xb8;
	[tilespmem:$0x1A100] =	vst v63  }
0xb7: {  	s0 =	sld [smem:$0x7F0]  }
0xb8: {  	[tilespmem:s19], [sflag:$0x8] =	stream.indirect_vreg.gather [hbm4b:s15+s2], $0x80, v2, vm0, $0xb8;
	[tilespmem:$0x1A100] =	vst v63  }
0xb9: {  	s19 =	sld [smem:$0x7F1]  }
0xba: {  	[tilespmem:s0], [sflag:$0x8] =	stream.indirect_vreg.gather [hbm4b:s16+s2], $0x80, v2, vm0, $0xb8;
	[tilespmem:$0x1A100] =	vst v63  }
0xbb: {  	s0 =	rddreg [dreg:$0xd]  }
0xbc: {  	[tilespmem:s19], [sflag:$0x8] =	stream.indirect_vreg.gather [hbm4b:s17+s2], $0x80, v2, vm0, $0xb8;
	[tilespmem:$0x1A100] =	vst v63  }
0xbd: {  	v2 =	vld.msk [tilespmem:s0+$0x0], $0xff;
	_ =	sdelay $0x4  }
0xbe: {  	v3 =	vshll.u32 v2, $0x7  }
0xbf: {  	v2 =	vand.u32 $0x7, v2;
	v3 =	vand.u32 $0xFFFFFC00, v3  }
0xc0: {  	v2 =	vor.u32 v2, v3  }
0xc1: {  	v2 =	vperm.xlane v2, v0;
	_ =	sdelay $0x1  }
0xc2: {  	v2 =	vadd.s32 v1, v2;
	_ =	sdelay $0x3  }
0xc3: {  	s19 =	sld [smem:$0x7F2]  }
0xc4: {  	[tilespmem:s29], [sflag:$0x9] =	stream.indirect_vreg.gather [hbm4b:s3+s2], $0x80, v2, vm0, $0xb8;
	[tilespmem:$0x1A100] =	vst v63  }
0xc5: {  	s0 =	sld [smem:$0x7F3]  }
0xc6: {  	[tilespmem:s19], [sflag:$0x9] =	stream.indirect_vreg.gather [hbm4b:s15+s2], $0x80, v2, vm0, $0xb8;
	[tilespmem:$0x1A100] =	vst v63  }
0xc7: {  	s19 =	sld [smem:$0x7F4]  }
0xc8: {  	[tilespmem:s0], [sflag:$0x9] =	stream.indirect_vreg.gather [hbm4b:s16+s2], $0x80, v2, vm0, $0xb8;
	[tilespmem:$0x1A100] =	vst v63  }
0xc9: {  	s0 =	rddreg [dreg:$0xe]  }
0xca: {  	[tilespmem:s19], [sflag:$0x9] =	stream.indirect_vreg.gather [hbm4b:s17+s2], $0x80, v2, vm0, $0xb8;
	[tilespmem:$0x1A100] =	vst v63  }
0xcb: {  	v2 =	vld.msk [tilespmem:s0+$0x0], $0xff;
	_ =	sdelay $0x4  }
0xcc: {  	v3 =	vshll.u32 v2, $0x7  }
0xcd: {  	v2 =	vand.u32 $0x7, v2;
	v3 =	vand.u32 $0xFFFFFC00, v3  }
0xce: {  	v2 =	vor.u32 v2, v3  }
0xcf: {  	v2 =	vperm.xlane v2, v0;
	_ =	sdelay $0x1  }
0xd0: {  	v2 =	vadd.s32 v1, v2;
	_ =	sdelay $0x3  }
0xd1: {  	s19 =	sld [smem:$0x7F5]  }
0xd2: {  	[tilespmem:s30], [sflag:$0xA] =	stream.indirect_vreg.gather [hbm4b:s3+s2], $0x80, v2, vm0, $0xb8;
	[tilespmem:$0x1A100] =	vst v63  }
0xd3: {  	s0 =	sld [smem:$0x7F6]  }
0xd4: {  	[tilespmem:s19], [sflag:$0xA] =	stream.indirect_vreg.gather [hbm4b:s15+s2], $0x80, v2, vm0, $0xb8;
	[tilespmem:$0x1A100] =	vst v63  }
0xd5: {  	s19 =	sld [smem:$0x7F7]  }
0xd6: {  	[tilespmem:s0], [sflag:$0xA] =	stream.indirect_vreg.gather [hbm4b:s16+s2], $0x80, v2, vm0, $0xb8;
	[tilespmem:$0x1A100] =	vst v63  }
0xd7: {  	s0 =	rddreg [dreg:$0xf]  }
0xd8: {  	[tilespmem:s19], [sflag:$0xA] =	stream.indirect_vreg.gather [hbm4b:s17+s2], $0x80, v2, vm0, $0xb8;
	[tilespmem:$0x1A100] =	vst v63  }
0xd9: {  	v2 =	vld.msk [tilespmem:s0+$0x0], $0xff;
	_ =	sdelay $0x4  }
0xda: {  	v3 =	vshll.u32 v2, $0x7  }
0xdb: {  	v2 =	vand.u32 $0x7, v2;
	v3 =	vand.u32 $0xFFFFFC00, v3  }
0xdc: {  	v2 =	vor.u32 v2, v3  }
0xdd: {  	v2 =	vperm.xlane v2, v0;
	_ =	sdelay $0x1  }
0xde: {  	v2 =	vadd.s32 v1, v2;
	_ =	sdelay $0x3  }
0xdf: {  	s19 =	sld [smem:$0x7F8]  }
0xe0: {  	[tilespmem:s31], [sflag:$0xB] =	stream.indirect_vreg.gather [hbm4b:s3+s2], $0x80, v2, vm0, $0xb8;
	[tilespmem:$0x1A100] =	vst v63  }
0xe1: {  	s0 =	sld [smem:$0x7F9]  }
0xe2: {  	[tilespmem:s19], [sflag:$0xB] =	stream.indirect_vreg.gather [hbm4b:s15+s2], $0x80, v2, vm0, $0xb8;
	[tilespmem:$0x1A100] =	vst v63  }
0xe3: {  	s19 =	sld [smem:$0x7FA]  }
0xe4: {  	[tilespmem:s0], [sflag:$0xB] =	stream.indirect_vreg.gather [hbm4b:s16+s2], $0x80, v2, vm0, $0xb8;
	[tilespmem:$0x1A100] =	vst v63  }
0xe5: {  	s0 =	rddreg [dreg:$0x10]  }
0xe6: {  	[tilespmem:s19], [sflag:$0xB] =	stream.indirect_vreg.gather [hbm4b:s17+s2], $0x80, v2, vm0, $0xb8;
	[tilespmem:$0x1A100] =	vst v63  }
0xe7: {  	v2 =	vld.msk [tilespmem:s0+$0x0], $0xff;
	_ =	sdelay $0x4  }
0xe8: {  	v3 =	vshll.u32 v2, $0x7  }
0xe9: {  	v2 =	vand.u32 $0x7, v2;
	v3 =	vand.u32 $0xFFFFFC00, v3  }
0xea: {  	v2 =	vor.u32 v2, v3  }
0xeb: {  	v2 =	vperm.xlane v2, v0;
	_ =	sdelay $0x1  }
0xec: {  	v2 =	vadd.s32 v1, v2;
	_ =	sdelay $0x3  }
0xed: {  	s19 =	sld [smem:$0x7FB];
	s0 =	simm.s32 $0x16100  }
0xee: {  	[tilespmem:s0], [sflag:$0xC] =	stream.indirect_vreg.gather [hbm4b:s3+s2], $0x80, v2, vm0, $0xb8;
	[tilespmem:$0x1A100] =	vst v63  }
0xef: {  	s18 =	sld [smem:$0x7FC]  }
0xf0: {  	[tilespmem:s19], [sflag:$0xC] =	stream.indirect_vreg.gather [hbm4b:s15+s2], $0x80, v2, vm0, $0xb8;
	[tilespmem:$0x1A100] =	vst v63  }
0xf1: {  	s19 =	sld [smem:$0x7FD]  }
0xf2: {  	[tilespmem:s18], [sflag:$0xC] =	stream.indirect_vreg.gather [hbm4b:s16+s2], $0x80, v2, vm0, $0xb8;
	[tilespmem:$0x1A100] =	vst v63  }
0xf3: {  	_ = 	snop  }
0xf4: {  	[tilespmem:s19], [sflag:$0xC] =	stream.indirect_vreg.gather [hbm4b:s17+s2], $0x80, v2, vm0, $0xb8;
	[tilespmem:$0x1A100] =	vst v63  }
0xf5: {  	v2 =	vld.msk @!p0 [tilespmem:$0xC0], $0xff;
	_ =	sdelay $0x4  }
0xf6: {  	v3 =	vshll.u32 @!p0 v2, $0x7  }
0xf7: {  	v4 =	vlaneseq.u32 @!p0;
	v2 =	vand.u32 @!p0 $0x7, v2;
	v3 =	vand.u32 @!p0 $0xFFFFFC00, v3  }
0xf8: {  	v2 =	vor.u32 @!p0 v2, v3;
	v3 =	vand.u32 @!p0 $0x7, v4;
	v4 =	vshrl.u32 @!p0 v4, $0x3  }
0xf9: {  	v2 =	vperm.xlane @!p0 v2, v3;
	v3 =	vmul.u32 @!p0 $0x8, v4;
	_ =	sdelay $0x1  }
0xfa: {  	v2 =	vadd.s32 @!p0 v3, v2;
	_ =	sdelay $0x3  }
0xfb: {  	s5 =	simm.s32 @!p0 $0x0;
	s18 =	simm.s32 @!p0 $0x18100  }
0xfc: {  	[tilespmem:s18], [sflag:$0xD] =	stream.indirect_vreg.gather @!p0 [hbm4b:s3+s5], $0x80, v2, vm1, $0xb8;
	[tilespmem:$0x1A100] =	vst v63  }
0xfd: {  	s19 =	simm.s32 @!p0 $0x18900  }
0xfe: {  	[tilespmem:s19], [sflag:$0xD] =	stream.indirect_vreg.gather @!p0 [hbm4b:s15+s5], $0x80, v2, vm1, $0xb8;
	[tilespmem:$0x1A100] =	vst v63  }
0xff: {  	s15 =	simm.s32 @!p0 $0x19100  }
0x100: {  	[tilespmem:s15], [sflag:$0xD] =	stream.indirect_vreg.gather @!p0 [hbm4b:s16+s5], $0x80, v2, vm1, $0xb8;
	[tilespmem:$0x1A100] =	vst v63  }
0x101: {  	s15 =	simm.s32 @!p0 $0x19900  }
0x102: {  	[tilespmem:s15], [sflag:$0xD] =	stream.indirect_vreg.gather @!p0 [hbm4b:s17+s5], $0x80, v2, vm1, $0xb8;
	[tilespmem:$0x1A100] =	vst v63  }
0x103: {  	s17 =	simm.s32 $0x1  }
0x104: {  	_ =	swait.ge [sflag:s17], $0x2000  }
0x105: {  	[sflag:s17] =	ssyncset.done $0x0  }
0x106: {  	s19 =	rddreg [dreg:$0x11];
	[sflag:s17] =	ssyncadd.s32 $0xFFFFE000;
	s17 =	simm.s32 $0x2  }
0x107: {  	[hbm4b:s19+s2] =	stream.linear.scatter [tilespmem:s20], [sflag:$0xE], $0x2000, $0x38;
	[tilespmem:$0x1A100] =	vst v63  }
0x108: {  	_ =	swait.ge [sflag:s17], $0x2000  }
0x109: {  	[sflag:s17] =	ssyncset.done $0x0  }
0x10a: {  	s19 =	rddreg [dreg:$0x12];
	[sflag:s17] =	ssyncadd.s32 $0xFFFFE000;
	s17 =	simm.s32 $0x3  }
0x10b: {  	[hbm4b:s19+s2] =	stream.linear.scatter [tilespmem:s21], [sflag:$0xF], $0x2000, $0x38;
	[tilespmem:$0x1A100] =	vst v63  }
0x10c: {  	_ =	swait.ge [sflag:s17], $0x2000  }
0x10d: {  	[sflag:s17] =	ssyncset.done $0x0  }
0x10e: {  	s19 =	rddreg [dreg:$0x13];
	[sflag:s17] =	ssyncadd.s32 $0xFFFFE000;
	s17 =	simm.s32 $0x4  }
0x10f: {  	[hbm4b:s19+s2] =	stream.linear.scatter [tilespmem:s22], [sflag:$0x10], $0x2000, $0x38;
	[tilespmem:$0x1A100] =	vst v63  }
0x110: {  	_ =	swait.ge [sflag:s17], $0x2000  }
0x111: {  	[sflag:s17] =	ssyncset.done $0x0  }
0x112: {  	s19 =	rddreg [dreg:$0x14];
	[sflag:s17] =	ssyncadd.s32 $0xFFFFE000;
	s17 =	simm.s32 $0x5  }
0x113: {  	[hbm4b:s19+s2] =	stream.linear.scatter [tilespmem:s23], [sflag:$0x11], $0x2000, $0x38;
	[tilespmem:$0x1A100] =	vst v63  }
0x114: {  	_ =	swait.ge [sflag:s17], $0x2000  }
0x115: {  	[sflag:s17] =	ssyncset.done $0x0  }
0x116: {  	s19 =	rddreg [dreg:$0x15];
	[sflag:s17] =	ssyncadd.s32 $0xFFFFE000;
	s17 =	simm.s32 $0x6  }
0x117: {  	[hbm4b:s19+s2] =	stream.linear.scatter [tilespmem:s24], [sflag:$0x12], $0x2000, $0x38;
	[tilespmem:$0x1A100] =	vst v63  }
0x118: {  	_ =	swait.ge [sflag:s17], $0x2000  }
0x119: {  	[sflag:s17] =	ssyncset.done $0x0  }
0x11a: {  	s19 =	rddreg [dreg:$0x16];
	[sflag:s17] =	ssyncadd.s32 $0xFFFFE000;
	s17 =	simm.s32 $0x7  }
0x11b: {  	[hbm4b:s19+s2] =	stream.linear.scatter [tilespmem:s25], [sflag:$0x13], $0x2000, $0x38;
	[tilespmem:$0x1A100] =	vst v63  }
0x11c: {  	_ =	swait.ge [sflag:s17], $0x2000  }
0x11d: {  	[sflag:s17] =	ssyncset.done $0x0  }
0x11e: {  	s19 =	rddreg [dreg:$0x17];
	[sflag:s17] =	ssyncadd.s32 $0xFFFFE000;
	s17 =	simm.s32 $0x8  }
0x11f: {  	[hbm4b:s19+s2] =	stream.linear.scatter [tilespmem:s26], [sflag:$0x14], $0x2000, $0x38;
	[tilespmem:$0x1A100] =	vst v63  }
0x120: {  	_ =	swait.ge [sflag:s17], $0x2000  }
0x121: {  	[sflag:s17] =	ssyncset.done $0x0  }
0x122: {  	s19 =	rddreg [dreg:$0x18];
	[sflag:s17] =	ssyncadd.s32 $0xFFFFE000;
	s17 =	simm.s32 $0x9  }
0x123: {  	[hbm4b:s19+s2] =	stream.linear.scatter [tilespmem:s28], [sflag:$0x15], $0x2000, $0x38;
	[tilespmem:$0x1A100] =	vst v63  }
0x124: {  	_ =	swait.ge [sflag:s17], $0x2000  }
0x125: {  	[sflag:s17] =	ssyncset.done $0x0  }
0x126: {  	s19 =	rddreg [dreg:$0x19];
	[sflag:s17] =	ssyncadd.s32 $0xFFFFE000;
	s17 =	simm.s32 $0xA  }
0x127: {  	[hbm4b:s19+s2] =	stream.linear.scatter [tilespmem:s29], [sflag:$0x16], $0x2000, $0x38;
	[tilespmem:$0x1A100] =	vst v63  }
0x128: {  	_ =	swait.ge [sflag:s17], $0x2000  }
0x129: {  	[sflag:s17] =	ssyncset.done $0x0  }
0x12a: {  	s19 =	rddreg [dreg:$0x1a];
	[sflag:s17] =	ssyncadd.s32 $0xFFFFE000;
	s17 =	simm.s32 $0xB  }
0x12b: {  	[hbm4b:s19+s2] =	stream.linear.scatter [tilespmem:s30], [sflag:$0x17], $0x2000, $0x38;
	[tilespmem:$0x1A100] =	vst v63  }
0x12c: {  	_ =	swait.ge [sflag:s17], $0x2000  }
0x12d: {  	[sflag:s17] =	ssyncset.done $0x0  }
0x12e: {  	s15 =	simm.s32 $0xC;
	s19 =	rddreg [dreg:$0x1b];
	[sflag:s17] =	ssyncadd.s32 $0xFFFFE000  }
0x12f: {  	[hbm4b:s19+s2] =	stream.linear.scatter [tilespmem:s31], [sflag:$0x18], $0x2000, $0x38;
	[tilespmem:$0x1A100] =	vst v63  }
0x130: {  	_ =	swait.ge [sflag:s15], $0x2000  }
0x131: {  	[sflag:s15] =	ssyncset.done $0x0  }
0x132: {  	s17 =	rddreg [dreg:$0x1c];
	[sflag:s15] =	ssyncadd.s32 $0xFFFFE000;
	s15 =	simm.s32 @!p0 $0xD  }
0x133: {  	[hbm4b:s17+s2] =	stream.linear.scatter [tilespmem:s0], [sflag:$0x19], $0x2000, $0x38;
	[tilespmem:$0x1A100] =	vst v63  }
0x134: {  	_ =	swait.ge @!p0 [sflag:s15], $0x2000  }
0x135: {  	[sflag:s15] =	ssyncset.done @!p0 $0x0  }
0x136: {  	s16 =	rddreg [dreg:$0x1d];
	[sflag:s15] =	ssyncadd.s32 @!p0 $0xFFFFE000  }
0x137: {  	[hbm4b:s16+s5] =	stream.linear.scatter @!p0 [tilespmem:s18], [sflag:$0x1A], $0x2000, $0x38;
	[tilespmem:$0x1A100] =	vst v63  }
0x138: {  	s18 =	simm.s32 $0xE  }
0x139: {  	_ =	swait.ge [sflag:s18], $0x2000  }
0x13a: {  	[sflag:s18] =	ssyncset.done $0x0  }
0x13b: {  	s19 =	simm.s32 $0xF;
	[sflag:s18] =	ssyncadd.s32 $0xFFFFE000  }
0x13c: {  	_ =	swait.ge [sflag:s19], $0x2000  }
0x13d: {  	[sflag:s19] =	ssyncset.done $0x0  }
0x13e: {  	[sflag:s19] =	ssyncadd.s32 $0xFFFFE000  }
0x13f: {  	_ =	swait.ge [sflag:s1], $0x2000  }
0x140: {  	[sflag:s1] =	ssyncset.done $0x0  }
0x141: {  	[sflag:s1] =	ssyncadd.s32 $0xFFFFE000  }
0x142: {  	_ =	swait.ge [sflag:s6], $0x2000  }
0x143: {  	[sflag:s6] =	ssyncset.done $0x0  }
0x144: {  	[sflag:s6] =	ssyncadd.s32 $0xFFFFE000  }
0x145: {  	_ =	swait.ge [sflag:s7], $0x2000  }
0x146: {  	[sflag:s7] =	ssyncset.done $0x0  }
0x147: {  	[sflag:s7] =	ssyncadd.s32 $0xFFFFE000  }
0x148: {  	_ =	swait.ge [sflag:s8], $0x2000  }
0x149: {  	[sflag:s8] =	ssyncset.done $0x0  }
0x14a: {  	[sflag:s8] =	ssyncadd.s32 $0xFFFFE000  }
0x14b: {  	_ =	swait.ge [sflag:s9], $0x2000  }
0x14c: {  	[sflag:s9] =	ssyncset.done $0x0  }
0x14d: {  	[sflag:s9] =	ssyncadd.s32 $0xFFFFE000  }
0x14e: {  	_ =	swait.ge [sflag:s10], $0x2000  }
0x14f: {  	[sflag:s10] =	ssyncset.done $0x0  }
0x150: {  	[sflag:s10] =	ssyncadd.s32 $0xFFFFE000  }
0x151: {  	_ =	swait.ge [sflag:s11], $0x2000  }
0x152: {  	[sflag:s11] =	ssyncset.done $0x0  }
0x153: {  	[sflag:s11] =	ssyncadd.s32 $0xFFFFE000  }
0x154: {  	_ =	swait.ge [sflag:s12], $0x2000  }
0x155: {  	[sflag:s12] =	ssyncset.done $0x0  }
0x156: {  	[sflag:s12] =	ssyncadd.s32 $0xFFFFE000  }
0x157: {  	_ =	swait.ge [sflag:s13], $0x2000  }
0x158: {  	[sflag:s13] =	ssyncset.done $0x0  }
0x159: {  	s4 =	sadd.s32 $0xFFFFFFFF, s4;
	[sflag:s13] =	ssyncadd.s32 $0xFFFFE000  }
0x15a: {  	p1 =	sne.s32 s4, $0x0;
	_ =	swait.ge [sflag:s14], $0x2000  }
.Ltmp0:
0x15b: {  	[sflag:s14] =	ssyncset.done $0x0;
	(pc) =	sbr.rel @p1 .LBB2_1-.Ltmp0, $4  }
0x15c: {  	s5 =	simm.s32 @!p0 $0x1A;
	[sflag:s14] =	ssyncadd.s32 $0xFFFFE000  }
0x15d: {  	_ =	swait.ge @!p0 [sflag:s5], $0x2000  }
0x15e: {  	[sflag:s5] =	ssyncset.done @!p0 $0x0  }
0x15f: {  	[sflag:s5] =	ssyncadd.s32 @!p0 $0xFFFFE000  }
0x160: {  	_ =	sfence.sel $0x180000  }
0x161: {  	[bflag:$0x0] =	sbarrier.arrive $0xFFFF  }
0x162: {  	_ =	strace $0x90000047  }
0x163: {  	s0 =	stileid.u32;
	[bflag:$0x2] =	sbarrier.arrive $0xFFFF  }
0x164: {  	p0 =	sne.s32 s0, $0x0;
	s0 =	rddreg [dreg:$0x3]  }
0x165: {  	s0 =	sadd.s32 @!p0 $0x100000, s0  }
0x166: {  	[sflag:s0] =	ssyncadd.tile.s32 @!p0 $0x1;
	_ =	shalt  }
.Lfunc_end2:
_tile_overlayer_lowered:
.L_overlay_start_2:
0x167: {  	(tag) =	ssettag $0x2  }
0x168: {  	s0 =	rddreg [dreg:$0x0];
	s2 =	stileid.u32  }
0x169: {  	s1 =	rddreg [dreg:$0x1];
	p0 =	sne.s32 s2, $0x0  }
0x16a: {  	s3 =	rddreg [dreg:$0x2];
	[bflag:$0x3] =	sbarrier.arrive $0xFFFF;
	s2 =	simm.s32 @!p0 $0x1C1B  }
0x16b: {  	[timem:s3], [sflag:s2] =	dma.local @!p0 [hbm:s0], s1  }
0x16c: {  	s0 =	simm.s32 @!p0 $0x1B  }
0x16d: {  	_ =	swait.ge @!p0 [sflag:s0], s1  }
0x16e: {  	s1 =	ssub.s32 @!p0 $0x0, s1;
	[sflag:s0] =	ssyncset.done @!p0 $0x0  }
0x16f: {  	[sflag:s0] =	ssyncadd.s32 @!p0 s1  }
0x170: {  	[bflag:$0x3] =	sbarrier.arrive $0xFFFF  }
0x171: {  	_ =	shalt  }

</sc_bundles>
